<compile_context>
chip_gen: v7x
topology: tpu7x:2x2x1
jax: 0.10.2.dev20260603
libtpu: 0.0.44.dev20260713+nightly
codegen_flags: <defaults>
</compile_context>

<pallas_src>
import functools

import jax
import jax.numpy as jnp
from jax import lax
from jax.experimental import pallas as pl
from jax.experimental.pallas import tpu as pltpu
from jax.experimental.pallas import tpu_sc as plsc

D = 128
H = 8
TW = 2 * H
PW = TW // 2
NC, NS = 2, 16
NW = NC * NS
L = 16


def _splat_i32(v):
    return jnp.full((L,), v, dtype=jnp.int32)


def _project_body(x_ref, w1_ref, b1_ref, t_ref):
    x = x_ref[...]
    dn = (((1,), (0,)), ((), ()))
    po = 2.0 * lax.dot_general(x, w1_ref[0:D, :], dn,
                               preferred_element_type=jnp.float32)
    pi = 2.0 * (lax.dot_general(x, w1_ref[D:2 * D, :], dn,
                                preferred_element_type=jnp.float32)
                + b1_ref[...])
    def pack(half):
        lo = lax.convert_element_type(
            lax.bitcast_convert_type(
                half[:, 0:H // 2].astype(jnp.bfloat16), jnp.uint16),
            jnp.uint32)
        hi = lax.convert_element_type(
            lax.bitcast_convert_type(
                half[:, H // 2:H].astype(jnp.bfloat16), jnp.uint16),
            jnp.uint32)
        return lax.bitcast_convert_type(lo | (hi << 16), jnp.int32)

    t_ref[...] = jnp.concatenate([pack(po), pack(pi)], axis=1)


def _make_sc_kernel(n: int, epw: int):
    mesh = plsc.VectorSubcoreMesh(core_axis_name="c", subcore_axis_name="s")
    epad = NW * epw

    @functools.partial(
        pl.kernel,
        mesh=mesh,
        out_type=jax.ShapeDtypeStruct((epad,), jnp.float32),
        compiler_params=pltpu.CompilerParams(
            needs_layout_passes=False, use_tc_tiling_on_sc=False),
        scratch_types=[
            pltpu.VMEM((n, PW), jnp.int32),
            pltpu.VMEM((epw,), jnp.int32),
            pltpu.VMEM((epw,), jnp.int32),
            pltpu.VMEM((epw,), jnp.float32),
            pltpu.VMEM((L, L), jnp.float32),
            pltpu.SemaphoreType.DMA,
            pltpu.SemaphoreType.DMA,
            pltpu.SemaphoreType.DMA,
            pltpu.SemaphoreType.DMA,
        ],
    )
    def sc_edge_mlp(tblh, ro, ri, wb, out, tbl, idx_o, idx_i, outb, wbv,
                    s0, s1, s2, s3):
        wid = lax.axis_index("s") * NC + lax.axis_index("c")
        base = pl.multiple_of(wid * epw, 8)
        ct = pltpu.async_copy(tblh, tbl, s0)
        co = pltpu.async_copy(ro.at[pl.ds(base, epw)], idx_o, s1)
        ci = pltpu.async_copy(ri.at[pl.ds(base, epw)], idx_i, s2)
        cw = pltpu.async_copy(wb, wbv, s3)
        cw.wait()
        co.wait()
        ci.wait()
        ct.wait()

        w2s = [wbv[h, :] for h in range(H)]
        csum = wbv[H, :]
        ms = []
        for h in range(H):
            csum = csum + w2s[h]
            ms.append(-2.0 * w2s[h])

        sh16 = _splat_i32(16)
        himask = _splat_i32(-65536)

        def unpack2(word):
            lo = plsc.bitcast(lax.shift_left(word, sh16), jnp.float32)
            hi = plsc.bitcast(lax.bitwise_and(word, himask), jnp.float32)
            return lo, hi

        @plsc.parallel_loop(0, epw // L, 1, unroll=5)
        def block(k):
            off = k * L
            eo = idx_o[pl.ds(off, L)]
            ei = idx_i[pl.ds(off, L)]
            svals = [None] * H
            for w in range(H // 2):
                wo = plsc.load_gather(tbl, [eo, _splat_i32(w)])
                wi = plsc.load_gather(tbl, [ei, _splat_i32(w + H // 2)])
                olo, ohi = unpack2(wo)
                ilo, ihi = unpack2(wi)
                svals[w] = olo + ilo
                svals[w + H // 2] = ohi + ihi
            acc = csum
            for h in range(H):
                e2 = jnp.exp(svals[h])
                acc = acc + ms[h] / (e2 + 1.0)
            outb[pl.ds(off, L)] = 1.0 / (1.0 + jnp.exp(-acc))

        pltpu.sync_copy(outb, out.at[pl.ds(base, epw)])

    return sc_edge_mlp


def kernel(X, Ri, Ro, W1, b1, W2, b2):
    Bb, N, Dd = X.shape
    E = Ri.shape[1]

    x = X.reshape(N, Dd)
    b1r = b1.reshape(1, H)

    packed = pl.pallas_call(
        _project_body,
        out_shape=jax.ShapeDtypeStruct((N, PW), jnp.int32),
    )(x, W1, b1r)

    wb = jnp.concatenate(
        [W2.reshape(H), b2.reshape(1),
         jnp.zeros((L - H - 1,), jnp.float32)])
    wb = jnp.tile(wb[:, None], (1, L))

    epw = -(-E // NW)
    epw = -(-epw // L) * L
    epad = NW * epw
    ro = Ro.reshape(E).astype(jnp.int32)
    ri = Ri.reshape(E).astype(jnp.int32)
    if epad != E:
        ro = jnp.pad(ro, (0, epad - E))
        ri = jnp.pad(ri, (0, epad - E))

    y = _make_sc_kernel(N, epw)(packed, ro, ri, wb)

    if epad != E:
        y = y[:E]
    return y.reshape(Bb, E)

# --- scband reference (transcript-rebuilt; emitter-appended) ---
"""Pipeline reference for scband-edge-network-28630251995174 (READ-ONLY COPY).

The authoritative reference and input builder live on the scoring server;
editing this copy changes nothing except your own understanding.
"""

import jax, jax.numpy as jnp
import numpy as np

B, N, E, D, H = 1, 10000, 320000, 128, 8

def setup_inputs(seed: int = 0) -> dict:
    key = jax.random.key(seed)
    ks = jax.random.split(key, 6)
    X = jax.random.normal(ks[0], (B, N, D), dtype=jnp.float32)
    Ri = jax.random.randint(ks[1], (B, E), 0, N)
    Ro = jax.random.randint(ks[2], (B, E), 0, N)
    W1 = jax.random.normal(ks[3], (2 * D, H), dtype=jnp.float32) * 0.05
    b1 = jnp.zeros((H,), dtype=jnp.float32)
    W2 = jax.random.normal(ks[4], (H, 1), dtype=jnp.float32) * 0.05
    b2 = jnp.zeros((1,), dtype=jnp.float32)
    return {"X": X, "Ri": Ri, "Ro": Ro, "W1": W1, "b1": b1, "W2": W2, "b2": b2}

def reference(X, Ri, Ro, W1, b1, W2, b2):
    # spBmm with transposed incidence matrices (edges x nodes, one-hot rows)
    # is exactly a per-edge gather of node features.
    gather = jax.vmap(lambda x, idx: jnp.take(x, idx, axis=0))
    bi = gather(X, Ri)  # [B, E, D]
    bo = gather(X, Ro)  # [B, E, D]
    Bcat = jnp.concatenate([bo, bi], axis=2)  # [B, E, 2D]
    h = jnp.tanh(Bcat @ W1 + b1)
    out = jax.nn.sigmoid(h @ W2 + b2)
    return out.squeeze(-1)  # [B, E]

if __name__ == "__main__":
    import jax
    _d = setup_inputs()
    print(jax.jit(kernel)(*tuple(_d.values())))

</pallas_src>

<mosaic_0001>
#map = affine_map<(d0, d1) -> (0, 0)>
#map1 = affine_map<(d0, d1) -> (0)>
module attributes {stable_mosaic.version = 14 : i64} {
  func.func @sc_edge_mlp(%arg0: i32, %arg1: i32, %arg2: memref<10000x8xi32, #tpu.memory_space<hbm>>, %arg3: memref<320000xi32, #tpu.memory_space<hbm>>, %arg4: memref<320000xi32, #tpu.memory_space<hbm>>, %arg5: memref<16x16xf32, #tpu.memory_space<hbm>>, %arg6: memref<320000xf32, #tpu.memory_space<hbm>>, %arg7: memref<10000x8xi32, #tpu.memory_space<vmem>>, %arg8: memref<10000xi32, #tpu.memory_space<vmem>>, %arg9: memref<10000xi32, #tpu.memory_space<vmem>>, %arg10: memref<10000xf32, #tpu.memory_space<vmem>>, %arg11: memref<16x16xf32, #tpu.memory_space<vmem>>, %arg12: memref<!tpu.dma_semaphore, #tpu.memory_space<semaphore_mem>>, %arg13: memref<!tpu.dma_semaphore, #tpu.memory_space<semaphore_mem>>, %arg14: memref<!tpu.dma_semaphore, #tpu.memory_space<semaphore_mem>>, %arg15: memref<!tpu.dma_semaphore, #tpu.memory_space<semaphore_mem>>) attributes {dimension_semantics = [#tpu.dimension_semantics<core_parallel>, #tpu.dimension_semantics<subcore_parallel>], iteration_bounds = array<i64: 2, 16>, scalar_prefetch = 0 : i64, scratch_operands = 9 : i64, tpu.core_type = #tpu.core_type<sc_vector_subcore>, window_params = [{transform_indices = #map}, {transform_indices = #map1}, {transform_indices = #map1}, {transform_indices = #map}, {transform_indices = #map1}]} {
    %mul3A = arith.constant 2 : i32
    %mul3A_0 = arith.muli %arg1, %mul3A : i32
    %add3A = arith.addi %mul3A_0, %arg0 : i32
    %mul3A_1 = arith.constant 10000 : i32
    %mul3A_2 = arith.muli %add3A, %mul3A_1 : i32
    %multiple_of3A = tpu.assume_multiple %mul3A_2, 8 : i32
    tpu.enqueue_dma source(%arg2 : memref<10000x8xi32, #tpu.memory_space<hbm>>) target(%arg7 : memref<10000x8xi32, #tpu.memory_space<vmem>>) target_semaphore(%arg12 : memref<!tpu.dma_semaphore, #tpu.memory_space<semaphore_mem>>)
    %dma_start3A = tpu.memref_slice %arg3[%multiple_of3A] : memref<320000xi32, #tpu.memory_space<hbm>> -> memref<10000xi32, #tpu.memory_space<hbm>>
    %dma_start3A_3 = tpu.memref_slice %arg3[%multiple_of3A] : memref<320000xi32, #tpu.memory_space<hbm>> -> memref<10000xi32, #tpu.memory_space<hbm>>
    tpu.enqueue_dma source(%dma_start3A_3 : memref<10000xi32, #tpu.memory_space<hbm>>) target(%arg8 : memref<10000xi32, #tpu.memory_space<vmem>>) target_semaphore(%arg13 : memref<!tpu.dma_semaphore, #tpu.memory_space<semaphore_mem>>)
    %dma_start3A_4 = tpu.memref_slice %arg4[%multiple_of3A] : memref<320000xi32, #tpu.memory_space<hbm>> -> memref<10000xi32, #tpu.memory_space<hbm>>
    %dma_start3A_5 = tpu.memref_slice %arg4[%multiple_of3A] : memref<320000xi32, #tpu.memory_space<hbm>> -> memref<10000xi32, #tpu.memory_space<hbm>>
    tpu.enqueue_dma source(%dma_start3A_5 : memref<10000xi32, #tpu.memory_space<hbm>>) target(%arg9 : memref<10000xi32, #tpu.memory_space<vmem>>) target_semaphore(%arg14 : memref<!tpu.dma_semaphore, #tpu.memory_space<semaphore_mem>>)
    tpu.enqueue_dma source(%arg5 : memref<16x16xf32, #tpu.memory_space<hbm>>) target(%arg11 : memref<16x16xf32, #tpu.memory_space<vmem>>) target_semaphore(%arg15 : memref<!tpu.dma_semaphore, #tpu.memory_space<semaphore_mem>>)
    tpu.wait_dma2 semaphore(%arg15 : memref<!tpu.dma_semaphore, #tpu.memory_space<semaphore_mem>>) src(%arg5 : memref<16x16xf32, #tpu.memory_space<hbm>>) dst(%arg11 : memref<16x16xf32, #tpu.memory_space<vmem>>)
    %dma_wait3A = tpu.memref_slice %arg3[%multiple_of3A] : memref<320000xi32, #tpu.memory_space<hbm>> -> memref<10000xi32, #tpu.memory_space<hbm>>
    %dma_wait3A_6 = tpu.memref_slice %arg3[%multiple_of3A] : memref<320000xi32, #tpu.memory_space<hbm>> -> memref<10000xi32, #tpu.memory_space<hbm>>
    tpu.wait_dma2 semaphore(%arg13 : memref<!tpu.dma_semaphore, #tpu.memory_space<semaphore_mem>>) src(%dma_wait3A_6 : memref<10000xi32, #tpu.memory_space<hbm>>) dst(%arg8 : memref<10000xi32, #tpu.memory_space<vmem>>)
    %dma_wait3A_7 = tpu.memref_slice %arg4[%multiple_of3A] : memref<320000xi32, #tpu.memory_space<hbm>> -> memref<10000xi32, #tpu.memory_space<hbm>>
    %dma_wait3A_8 = tpu.memref_slice %arg4[%multiple_of3A] : memref<320000xi32, #tpu.memory_space<hbm>> -> memref<10000xi32, #tpu.memory_space<hbm>>
    tpu.wait_dma2 semaphore(%arg14 : memref<!tpu.dma_semaphore, #tpu.memory_space<semaphore_mem>>) src(%dma_wait3A_8 : memref<10000xi32, #tpu.memory_space<hbm>>) dst(%arg9 : memref<10000xi32, #tpu.memory_space<vmem>>)
    tpu.wait_dma2 semaphore(%arg12 : memref<!tpu.dma_semaphore, #tpu.memory_space<semaphore_mem>>) src(%arg2 : memref<10000x8xi32, #tpu.memory_space<hbm>>) dst(%arg7 : memref<10000x8xi32, #tpu.memory_space<vmem>>)
    %get3A = arith.constant 0 : i32
    %get3A_9 = arith.index_cast %get3A : i32 to index
    %get3A_10 = arith.constant 0 : index
    %get3A_11 = tpu.vector_load %arg11[%get3A_9, %get3A_10] {strides = array<i32>} : memref<16x16xf32, #tpu.memory_space<vmem>>, vector<16xf32>,
    %get3A_12 = arith.constant 1 : i32
    %get3A_13 = arith.index_cast %get3A_12 : i32 to index
    %get3A_14 = arith.constant 0 : index
    %get3A_15 = tpu.vector_load %arg11[%get3A_13, %get3A_14] {strides = array<i32>} : memref<16x16xf32, #tpu.memory_space<vmem>>, vector<16xf32>,
    %get3A_16 = arith.constant 2 : i32
    %get3A_17 = arith.index_cast %get3A_16 : i32 to index
    %get3A_18 = arith.constant 0 : index
    %get3A_19 = tpu.vector_load %arg11[%get3A_17, %get3A_18] {strides = array<i32>} : memref<16x16xf32, #tpu.memory_space<vmem>>, vector<16xf32>,
    %get3A_20 = arith.constant 3 : i32
    %get3A_21 = arith.index_cast %get3A_20 : i32 to index
    %get3A_22 = arith.constant 0 : index
    %get3A_23 = tpu.vector_load %arg11[%get3A_21, %get3A_22] {strides = array<i32>} : memref<16x16xf32, #tpu.memory_space<vmem>>, vector<16xf32>,
    %get3A_24 = arith.constant 4 : i32
    %get3A_25 = arith.index_cast %get3A_24 : i32 to index
    %get3A_26 = arith.constant 0 : index
    %get3A_27 = tpu.vector_load %arg11[%get3A_25, %get3A_26] {strides = array<i32>} : memref<16x16xf32, #tpu.memory_space<vmem>>, vector<16xf32>,
    %get3A_28 = arith.constant 5 : i32
    %get3A_29 = arith.index_cast %get3A_28 : i32 to index
    %get3A_30 = arith.constant 0 : index
    %get3A_31 = tpu.vector_load %arg11[%get3A_29, %get3A_30] {strides = array<i32>} : memref<16x16xf32, #tpu.memory_space<vmem>>, vector<16xf32>,
    %get3A_32 = arith.constant 6 : i32
    %get3A_33 = arith.index_cast %get3A_32 : i32 to index
    %get3A_34 = arith.constant 0 : index
    %get3A_35 = tpu.vector_load %arg11[%get3A_33, %get3A_34] {strides = array<i32>} : memref<16x16xf32, #tpu.memory_space<vmem>>, vector<16xf32>,
    %get3A_36 = arith.constant 7 : i32
    %get3A_37 = arith.index_cast %get3A_36 : i32 to index
    %get3A_38 = arith.constant 0 : index
    %get3A_39 = tpu.vector_load %arg11[%get3A_37, %get3A_38] {strides = array<i32>} : memref<16x16xf32, #tpu.memory_space<vmem>>, vector<16xf32>,
    %get3A_40 = arith.constant 8 : i32
    %get3A_41 = arith.index_cast %get3A_40 : i32 to index
    %get3A_42 = arith.constant 0 : index
    %get3A_43 = tpu.vector_load %arg11[%get3A_41, %get3A_42] {strides = array<i32>} : memref<16x16xf32, #tpu.memory_space<vmem>>, vector<16xf32>,
    %add3A_44 = arith.addf %get3A_43, %get3A_11 : vector<16xf32>
    %mul3A_45 = arith.constant -2.000000e+00 : f32
    %mul3A_46 = vector.broadcast %mul3A_45 : f32 to vector<16xf32>
    %mul3A_47 = arith.mulf %mul3A_46, %get3A_11 : vector<16xf32>
    %add3A_48 = arith.addf %add3A_44, %get3A_15 : vector<16xf32>
    %mul3A_49 = arith.constant -2.000000e+00 : f32
    %mul3A_50 = vector.broadcast %mul3A_49 : f32 to vector<16xf32>
    %mul3A_51 = arith.mulf %mul3A_50, %get3A_15 : vector<16xf32>
    %add3A_52 = arith.addf %add3A_48, %get3A_19 : vector<16xf32>
    %mul3A_53 = arith.constant -2.000000e+00 : f32
    %mul3A_54 = vector.broadcast %mul3A_53 : f32 to vector<16xf32>
    %mul3A_55 = arith.mulf %mul3A_54, %get3A_19 : vector<16xf32>
    %add3A_56 = arith.addf %add3A_52, %get3A_23 : vector<16xf32>
    %mul3A_57 = arith.constant -2.000000e+00 : f32
    %mul3A_58 = vector.broadcast %mul3A_57 : f32 to vector<16xf32>
    %mul3A_59 = arith.mulf %mul3A_58, %get3A_23 : vector<16xf32>
    %add3A_60 = arith.addf %add3A_56, %get3A_27 : vector<16xf32>
    %mul3A_61 = arith.constant -2.000000e+00 : f32
    %mul3A_62 = vector.broadcast %mul3A_61 : f32 to vector<16xf32>
    %mul3A_63 = arith.mulf %mul3A_62, %get3A_27 : vector<16xf32>
    %add3A_64 = arith.addf %add3A_60, %get3A_31 : vector<16xf32>
    %mul3A_65 = arith.constant -2.000000e+00 : f32
    %mul3A_66 = vector.broadcast %mul3A_65 : f32 to vector<16xf32>
    %mul3A_67 = arith.mulf %mul3A_66, %get3A_31 : vector<16xf32>
    %add3A_68 = arith.addf %add3A_64, %get3A_35 : vector<16xf32>
    %mul3A_69 = arith.constant -2.000000e+00 : f32
    %mul3A_70 = vector.broadcast %mul3A_69 : f32 to vector<16xf32>
    %mul3A_71 = arith.mulf %mul3A_70, %get3A_35 : vector<16xf32>
    %add3A_72 = arith.addf %add3A_68, %get3A_39 : vector<16xf32>
    %mul3A_73 = arith.constant -2.000000e+00 : f32
    %mul3A_74 = vector.broadcast %mul3A_73 : f32 to vector<16xf32>
    %mul3A_75 = arith.mulf %mul3A_74, %get3A_39 : vector<16xf32>
    %broadcast_in_dim3A = arith.constant 16 : i32
    %broadcast_in_dim3A_76 = vector.broadcast %broadcast_in_dim3A : i32 to vector<16xi32>
    %broadcast_in_dim3A_77 = arith.constant -65536 : i32
    %broadcast_in_dim3A_78 = vector.broadcast %broadcast_in_dim3A_77 : i32 to vector<16xi32>
    %parallel_loop3A = arith.constant 0 : i32
    %parallel_loop3A_79 = arith.constant 625 : i32
    %parallel_loop3A_80 = arith.constant 1 : i32
    scf.for %parallel_loop3A_81 = %parallel_loop3A to %parallel_loop3A_79 step %parallel_loop3A_80  : i32 {
      %parallel_loop3A_82 = arith.constant 16 : i32
      %parallel_loop3A_83 = arith.muli %parallel_loop3A_81, %parallel_loop3A_82 : i32
      %parallel_loop3A_84 = arith.index_cast %parallel_loop3A_83 : i32 to index
      %parallel_loop3A_85 = tpu.vector_load %arg8[%parallel_loop3A_84] {strides = array<i32>} : memref<10000xi32, #tpu.memory_space<vmem>>, vector<16xi32>,
      %parallel_loop3A_86 = arith.index_cast %parallel_loop3A_83 : i32 to index
      %parallel_loop3A_87 = tpu.vector_load %arg9[%parallel_loop3A_86] {strides = array<i32>} : memref<10000xi32, #tpu.memory_space<vmem>>, vector<16xi32>,
      %parallel_loop3A_88 = arith.constant 0 : i32
      %parallel_loop3A_89 = vector.broadcast %parallel_loop3A_88 : i32 to vector<16xi32>
      %parallel_loop3A_90 = tpu.vector_load_idx %arg7[%parallel_loop3A_85, %parallel_loop3A_89] : memref<10000x8xi32, #tpu.memory_space<vmem>>[vector<16xi32>, vector<16xi32>], vector<16xi32>,
      %parallel_loop3A_91 = arith.constant 4 : i32
      %parallel_loop3A_92 = vector.broadcast %parallel_loop3A_91 : i32 to vector<16xi32>
      %parallel_loop3A_93 = tpu.vector_load_idx %arg7[%parallel_loop3A_87, %parallel_loop3A_92] : memref<10000x8xi32, #tpu.memory_space<vmem>>[vector<16xi32>, vector<16xi32>], vector<16xi32>,
      %parallel_loop3A_94 = arith.shli %parallel_loop3A_90, %broadcast_in_dim3A_76 : vector<16xi32>
      %parallel_loop3A_95 = vector.bitcast %parallel_loop3A_94 : vector<16xi32> to vector<16xf32>
      %parallel_loop3A_96 = arith.andi %parallel_loop3A_90, %broadcast_in_dim3A_78 : vector<16xi32>
      %parallel_loop3A_97 = vector.bitcast %parallel_loop3A_96 : vector<16xi32> to vector<16xf32>
      %parallel_loop3A_98 = arith.shli %parallel_loop3A_93, %broadcast_in_dim3A_76 : vector<16xi32>
      %parallel_loop3A_99 = vector.bitcast %parallel_loop3A_98 : vector<16xi32> to vector<16xf32>
      %parallel_loop3A_100 = arith.andi %parallel_loop3A_93, %broadcast_in_dim3A_78 : vector<16xi32>
      %parallel_loop3A_101 = vector.bitcast %parallel_loop3A_100 : vector<16xi32> to vector<16xf32>
      %parallel_loop3A_102 = arith.addf %parallel_loop3A_95, %parallel_loop3A_99 : vector<16xf32>
      %parallel_loop3A_103 = arith.addf %parallel_loop3A_97, %parallel_loop3A_101 : vector<16xf32>
      %parallel_loop3A_104 = arith.constant 1 : i32
      %parallel_loop3A_105 = vector.broadcast %parallel_loop3A_104 : i32 to vector<16xi32>
      %parallel_loop3A_106 = tpu.vector_load_idx %arg7[%parallel_loop3A_85, %parallel_loop3A_105] : memref<10000x8xi32, #tpu.memory_space<vmem>>[vector<16xi32>, vector<16xi32>], vector<16xi32>,
      %parallel_loop3A_107 = arith.constant 5 : i32
      %parallel_loop3A_108 = vector.broadcast %parallel_loop3A_107 : i32 to vector<16xi32>
      %parallel_loop3A_109 = tpu.vector_load_idx %arg7[%parallel_loop3A_87, %parallel_loop3A_108] : memref<10000x8xi32, #tpu.memory_space<vmem>>[vector<16xi32>, vector<16xi32>], vector<16xi32>,
      %parallel_loop3A_110 = arith.shli %parallel_loop3A_106, %broadcast_in_dim3A_76 : vector<16xi32>
      %parallel_loop3A_111 = vector.bitcast %parallel_loop3A_110 : vector<16xi32> to vector<16xf32>
      %parallel_loop3A_112 = arith.andi %parallel_loop3A_106, %broadcast_in_dim3A_78 : vector<16xi32>
      %parallel_loop3A_113 = vector.bitcast %parallel_loop3A_112 : vector<16xi32> to vector<16xf32>
      %parallel_loop3A_114 = arith.shli %parallel_loop3A_109, %broadcast_in_dim3A_76 : vector<16xi32>
      %parallel_loop3A_115 = vector.bitcast %parallel_loop3A_114 : vector<16xi32> to vector<16xf32>
      %parallel_loop3A_116 = arith.andi %parallel_loop3A_109, %broadcast_in_dim3A_78 : vector<16xi32>
      %parallel_loop3A_117 = vector.bitcast %parallel_loop3A_116 : vector<16xi32> to vector<16xf32>
      %parallel_loop3A_118 = arith.addf %parallel_loop3A_111, %parallel_loop3A_115 : vector<16xf32>
      %parallel_loop3A_119 = arith.addf %parallel_loop3A_113, %parallel_loop3A_117 : vector<16xf32>
      %parallel_loop3A_120 = arith.constant 2 : i32
      %parallel_loop3A_121 = vector.broadcast %parallel_loop3A_120 : i32 to vector<16xi32>
      %parallel_loop3A_122 = tpu.vector_load_idx %arg7[%parallel_loop3A_85, %parallel_loop3A_121] : memref<10000x8xi32, #tpu.memory_space<vmem>>[vector<16xi32>, vector<16xi32>], vector<16xi32>,
      %parallel_loop3A_123 = arith.constant 6 : i32
      %parallel_loop3A_124 = vector.broadcast %parallel_loop3A_123 : i32 to vector<16xi32>
      %parallel_loop3A_125 = tpu.vector_load_idx %arg7[%parallel_loop3A_87, %parallel_loop3A_124] : memref<10000x8xi32, #tpu.memory_space<vmem>>[vector<16xi32>, vector<16xi32>], vector<16xi32>,
      %parallel_loop3A_126 = arith.shli %parallel_loop3A_122, %broadcast_in_dim3A_76 : vector<16xi32>
      %parallel_loop3A_127 = vector.bitcast %parallel_loop3A_126 : vector<16xi32> to vector<16xf32>
      %parallel_loop3A_128 = arith.andi %parallel_loop3A_122, %broadcast_in_dim3A_78 : vector<16xi32>
      %parallel_loop3A_129 = vector.bitcast %parallel_loop3A_128 : vector<16xi32> to vector<16xf32>
      %parallel_loop3A_130 = arith.shli %parallel_loop3A_125, %broadcast_in_dim3A_76 : vector<16xi32>
      %parallel_loop3A_131 = vector.bitcast %parallel_loop3A_130 : vector<16xi32> to vector<16xf32>
      %parallel_loop3A_132 = arith.andi %parallel_loop3A_125, %broadcast_in_dim3A_78 : vector<16xi32>
      %parallel_loop3A_133 = vector.bitcast %parallel_loop3A_132 : vector<16xi32> to vector<16xf32>
      %parallel_loop3A_134 = arith.addf %parallel_loop3A_127, %parallel_loop3A_131 : vector<16xf32>
      %parallel_loop3A_135 = arith.addf %parallel_loop3A_129, %parallel_loop3A_133 : vector<16xf32>
      %parallel_loop3A_136 = arith.constant 3 : i32
      %parallel_loop3A_137 = vector.broadcast %parallel_loop3A_136 : i32 to vector<16xi32>
      %parallel_loop3A_138 = tpu.vector_load_idx %arg7[%parallel_loop3A_85, %parallel_loop3A_137] : memref<10000x8xi32, #tpu.memory_space<vmem>>[vector<16xi32>, vector<16xi32>], vector<16xi32>,
      %parallel_loop3A_139 = arith.constant 7 : i32
      %parallel_loop3A_140 = vector.broadcast %parallel_loop3A_139 : i32 to vector<16xi32>
      %parallel_loop3A_141 = tpu.vector_load_idx %arg7[%parallel_loop3A_87, %parallel_loop3A_140] : memref<10000x8xi32, #tpu.memory_space<vmem>>[vector<16xi32>, vector<16xi32>], vector<16xi32>,
      %parallel_loop3A_142 = arith.shli %parallel_loop3A_138, %broadcast_in_dim3A_76 : vector<16xi32>
      %parallel_loop3A_143 = vector.bitcast %parallel_loop3A_142 : vector<16xi32> to vector<16xf32>
      %parallel_loop3A_144 = arith.andi %parallel_loop3A_138, %broadcast_in_dim3A_78 : vector<16xi32>
      %parallel_loop3A_145 = vector.bitcast %parallel_loop3A_144 : vector<16xi32> to vector<16xf32>
      %parallel_loop3A_146 = arith.shli %parallel_loop3A_141, %broadcast_in_dim3A_76 : vector<16xi32>
      %parallel_loop3A_147 = vector.bitcast %parallel_loop3A_146 : vector<16xi32> to vector<16xf32>
      %parallel_loop3A_148 = arith.andi %parallel_loop3A_141, %broadcast_in_dim3A_78 : vector<16xi32>
      %parallel_loop3A_149 = vector.bitcast %parallel_loop3A_148 : vector<16xi32> to vector<16xf32>
      %parallel_loop3A_150 = arith.addf %parallel_loop3A_143, %parallel_loop3A_147 : vector<16xf32>
      %parallel_loop3A_151 = arith.addf %parallel_loop3A_145, %parallel_loop3A_149 : vector<16xf32>
      %parallel_loop3A_152 = math.exp %parallel_loop3A_102 : vector<16xf32>
      %parallel_loop3A_153 = arith.constant 1.000000e+00 : f32
      %parallel_loop3A_154 = vector.broadcast %parallel_loop3A_153 : f32 to vector<16xf32>
      %parallel_loop3A_155 = arith.addf %parallel_loop3A_152, %parallel_loop3A_154 : vector<16xf32>
      %parallel_loop3A_156 = arith.divf %mul3A_47, %parallel_loop3A_155 : vector<16xf32>
      %parallel_loop3A_157 = arith.addf %add3A_72, %parallel_loop3A_156 : vector<16xf32>
      %parallel_loop3A_158 = math.exp %parallel_loop3A_118 : vector<16xf32>
      %parallel_loop3A_159 = arith.constant 1.000000e+00 : f32
      %parallel_loop3A_160 = vector.broadcast %parallel_loop3A_159 : f32 to vector<16xf32>
      %parallel_loop3A_161 = arith.addf %parallel_loop3A_158, %parallel_loop3A_160 : vector<16xf32>
      %parallel_loop3A_162 = arith.divf %mul3A_51, %parallel_loop3A_161 : vector<16xf32>
      %parallel_loop3A_163 = arith.addf %parallel_loop3A_157, %parallel_loop3A_162 : vector<16xf32>
      %parallel_loop3A_164 = math.exp %parallel_loop3A_134 : vector<16xf32>
      %parallel_loop3A_165 = arith.constant 1.000000e+00 : f32
      %parallel_loop3A_166 = vector.broadcast %parallel_loop3A_165 : f32 to vector<16xf32>
      %parallel_loop3A_167 = arith.addf %parallel_loop3A_164, %parallel_loop3A_166 : vector<16xf32>
      %parallel_loop3A_168 = arith.divf %mul3A_55, %parallel_loop3A_167 : vector<16xf32>
      %parallel_loop3A_169 = arith.addf %parallel_loop3A_163, %parallel_loop3A_168 : vector<16xf32>
      %parallel_loop3A_170 = math.exp %parallel_loop3A_150 : vector<16xf32>
      %parallel_loop3A_171 = arith.constant 1.000000e+00 : f32
      %parallel_loop3A_172 = vector.broadcast %parallel_loop3A_171 : f32 to vector<16xf32>
      %parallel_loop3A_173 = arith.addf %parallel_loop3A_170, %parallel_loop3A_172 : vector<16xf32>
      %parallel_loop3A_174 = arith.divf %mul3A_59, %parallel_loop3A_173 : vector<16xf32>
      %parallel_loop3A_175 = arith.addf %parallel_loop3A_169, %parallel_loop3A_174 : vector<16xf32>
      %parallel_loop3A_176 = math.exp %parallel_loop3A_103 : vector<16xf32>
      %parallel_loop3A_177 = arith.constant 1.000000e+00 : f32
      %parallel_loop3A_178 = vector.broadcast %parallel_loop3A_177 : f32 to vector<16xf32>
      %parallel_loop3A_179 = arith.addf %parallel_loop3A_176, %parallel_loop3A_178 : vector<16xf32>
      %parallel_loop3A_180 = arith.divf %mul3A_63, %parallel_loop3A_179 : vector<16xf32>
      %parallel_loop3A_181 = arith.addf %parallel_loop3A_175, %parallel_loop3A_180 : vector<16xf32>
      %parallel_loop3A_182 = math.exp %parallel_loop3A_119 : vector<16xf32>
      %parallel_loop3A_183 = arith.constant 1.000000e+00 : f32
      %parallel_loop3A_184 = vector.broadcast %parallel_loop3A_183 : f32 to vector<16xf32>
      %parallel_loop3A_185 = arith.addf %parallel_loop3A_182, %parallel_loop3A_184 : vector<16xf32>
      %parallel_loop3A_186 = arith.divf %mul3A_67, %parallel_loop3A_185 : vector<16xf32>
      %parallel_loop3A_187 = arith.addf %parallel_loop3A_181, %parallel_loop3A_186 : vector<16xf32>
      %parallel_loop3A_188 = math.exp %parallel_loop3A_135 : vector<16xf32>
      %parallel_loop3A_189 = arith.constant 1.000000e+00 : f32
      %parallel_loop3A_190 = vector.broadcast %parallel_loop3A_189 : f32 to vector<16xf32>
      %parallel_loop3A_191 = arith.addf %parallel_loop3A_188, %parallel_loop3A_190 : vector<16xf32>
      %parallel_loop3A_192 = arith.divf %mul3A_71, %parallel_loop3A_191 : vector<16xf32>
      %parallel_loop3A_193 = arith.addf %parallel_loop3A_187, %parallel_loop3A_192 : vector<16xf32>
      %parallel_loop3A_194 = math.exp %parallel_loop3A_151 : vector<16xf32>
      %parallel_loop3A_195 = arith.constant 1.000000e+00 : f32
      %parallel_loop3A_196 = vector.broadcast %parallel_loop3A_195 : f32 to vector<16xf32>
      %parallel_loop3A_197 = arith.addf %parallel_loop3A_194, %parallel_loop3A_196 : vector<16xf32>
      %parallel_loop3A_198 = arith.divf %mul3A_75, %parallel_loop3A_197 : vector<16xf32>
      %parallel_loop3A_199 = arith.addf %parallel_loop3A_193, %parallel_loop3A_198 : vector<16xf32>
      %parallel_loop3A_200 = arith.constant 0.000000e+00 : f32
      %parallel_loop3A_201 = vector.broadcast %parallel_loop3A_200 : f32 to vector<16xf32>
      %parallel_loop3A_202 = arith.subf %parallel_loop3A_201, %parallel_loop3A_199 : vector<16xf32>
      %parallel_loop3A_203 = math.exp %parallel_loop3A_202 : vector<16xf32>
      %parallel_loop3A_204 = arith.constant 1.000000e+00 : f32
      %parallel_loop3A_205 = vector.broadcast %parallel_loop3A_204 : f32 to vector<16xf32>
      %parallel_loop3A_206 = arith.addf %parallel_loop3A_205, %parallel_loop3A_203 : vector<16xf32>
      %parallel_loop3A_207 = arith.constant 1.000000e+00 : f32
      %parallel_loop3A_208 = vector.broadcast %parallel_loop3A_207 : f32 to vector<16xf32>
      %parallel_loop3A_209 = arith.divf %parallel_loop3A_208, %parallel_loop3A_206 : vector<16xf32>
      %parallel_loop3A_210 = arith.index_cast %parallel_loop3A_83 : i32 to index
      %parallel_loop3A_211 = tpu.vector_load %arg10[%parallel_loop3A_210] {strides = array<i32>} : memref<10000xf32, #tpu.memory_space<vmem>>, vector<16xf32>,
      tpu.vector_store %arg10[%parallel_loop3A_210], %parallel_loop3A_209 {strides = array<i32>} : memref<10000xf32, #tpu.memory_space<vmem>>, vector<16xf32>,
    } {sc.loop_unroll_factor = 5 : i64, sc.parallel_access}
    "tpu.region"() ({
      %run_scoped3A = tpu.sem_alloc : memref<!tpu.dma_semaphore, #tpu.memory_space<semaphore_mem>>
      %dma_start3A_81 = tpu.memref_slice %arg6[%multiple_of3A] : memref<320000xf32, #tpu.memory_space<hbm>> -> memref<10000xf32, #tpu.memory_space<hbm>>
      %dma_start3A_82 = tpu.memref_slice %arg6[%multiple_of3A] : memref<320000xf32, #tpu.memory_space<hbm>> -> memref<10000xf32, #tpu.memory_space<hbm>>
      tpu.enqueue_dma source(%arg10 : memref<10000xf32, #tpu.memory_space<vmem>>) target(%dma_start3A_82 : memref<10000xf32, #tpu.memory_space<hbm>>) target_semaphore(%run_scoped3A : memref<!tpu.dma_semaphore, #tpu.memory_space<semaphore_mem>>)
      %dma_wait3A_83 = tpu.memref_slice %arg6[%multiple_of3A] : memref<320000xf32, #tpu.memory_space<hbm>> -> memref<10000xf32, #tpu.memory_space<hbm>>
      %dma_wait3A_84 = tpu.memref_slice %arg6[%multiple_of3A] : memref<320000xf32, #tpu.memory_space<hbm>> -> memref<10000xf32, #tpu.memory_space<hbm>>
      tpu.wait_dma2 semaphore(%run_scoped3A : memref<!tpu.dma_semaphore, #tpu.memory_space<semaphore_mem>>) src(%arg10 : memref<10000xf32, #tpu.memory_space<vmem>>) dst(%dma_wait3A_84 : memref<10000xf32, #tpu.memory_space<hbm>>)
      tpu.yield
    }) : () -> ()
    return
  }
}

module attributes {stable_mosaic.version = 14 : i64} {
  func.func @_project_body(%arg0: memref<10000x128xf32, #tpu.memory_space<vmem>>, %arg1: memref<256x8xf32, #tpu.memory_space<vmem>>, %arg2: memref<1x8xf32, #tpu.memory_space<vmem>>, %arg3: memref<10000x8xi32, #tpu.memory_space<vmem>>) attributes {dimension_semantics = [], scalar_prefetch = 0 : i64, scratch_operands = 0 : i64, tpu.core_type = #tpu.core_type<tc>} {
    %get3A = arith.constant 0 : index
    %get3A_0 = arith.constant 0 : index
    %get3A_1 = vector.load %arg0[%get3A, %get3A_0] : memref<10000x128xf32, #tpu.memory_space<vmem>>, vector<10000x128xf32>
    %get3A_2 = arith.constant 0 : index
    %get3A_3 = arith.constant 0 : index
    %get3A_4 = vector.load %arg1[%get3A_2, %get3A_3] : memref<256x8xf32, #tpu.memory_space<vmem>>, vector<128x8xf32>
    %dot_general3A = arith.constant dense<0.000000e+00> : vector<10000x8xf32>
    %dot_general3A_5 = tpu.matmul %get3A_1, %get3A_4, %dot_general3A {dimension_numbers = #tpu.dot_dimension_numbers<[1], [0], [0], [1], [0, 0, 1, 1], [], []>, transpose_lhs_hint = false} : vector<10000x128xf32>, vector<128x8xf32>, vector<10000x8xf32> -> vector<10000x8xf32>
    %mul3A = arith.constant 2.000000e+00 : f32
    %mul3A_6 = vector.broadcast %mul3A : f32 to vector<10000x8xf32>
    %mul3A_7 = arith.mulf %mul3A_6, %dot_general3A_5 : vector<10000x8xf32>
    %get3A_8 = arith.constant 128 : index
    %get3A_9 = arith.constant 0 : index
    %get3A_10 = vector.load %arg1[%get3A_8, %get3A_9] : memref<256x8xf32, #tpu.memory_space<vmem>>, vector<128x8xf32>
    %dot_general3A_11 = arith.constant dense<0.000000e+00> : vector<10000x8xf32>
    %dot_general3A_12 = tpu.matmul %get3A_1, %get3A_10, %dot_general3A_11 {dimension_numbers = #tpu.dot_dimension_numbers<[1], [0], [0], [1], [0, 0, 1, 1], [], []>, transpose_lhs_hint = false} : vector<10000x128xf32>, vector<128x8xf32>, vector<10000x8xf32> -> vector<10000x8xf32>
    %get3A_13 = arith.constant 0 : index
    %get3A_14 = arith.constant 0 : index
    %get3A_15 = vector.load %arg2[%get3A_13, %get3A_14] : memref<1x8xf32, #tpu.memory_space<vmem>>, vector<1x8xf32>
    %add3A = vector.broadcast %get3A_15 : vector<1x8xf32> to vector<10000x8xf32>
    %add3A_16 = arith.addf %dot_general3A_12, %add3A : vector<10000x8xf32>
    %mul3A_17 = arith.constant 2.000000e+00 : f32
    %mul3A_18 = vector.broadcast %mul3A_17 : f32 to vector<10000x8xf32>
    %mul3A_19 = arith.mulf %mul3A_18, %add3A_16 : vector<10000x8xf32>
    %slice3A = vector.extract_strided_slice %mul3A_7 {offsets = [0, 0], sizes = [10000, 4], strides = [1, 1]} : vector<10000x8xf32> to vector<10000x4xf32>
    %convert_element_type3A = arith.truncf %slice3A : vector<10000x4xf32> to vector<10000x4xbf16>
    %bitcast_convert_type3A = tpu.bitcast %convert_element_type3A : vector<10000x4xbf16> -> vector<10000x4xi16>
    %convert_element_type3A_20 = arith.extui %bitcast_convert_type3A : vector<10000x4xi16> to vector<10000x4xi32>
    %slice3A_21 = vector.extract_strided_slice %mul3A_7 {offsets = [0, 4], sizes = [10000, 4], strides = [1, 1]} : vector<10000x8xf32> to vector<10000x4xf32>
    %convert_element_type3A_22 = arith.truncf %slice3A_21 : vector<10000x4xf32> to vector<10000x4xbf16>
    %bitcast_convert_type3A_23 = tpu.bitcast %convert_element_type3A_22 : vector<10000x4xbf16> -> vector<10000x4xi16>
    %convert_element_type3A_24 = arith.extui %bitcast_convert_type3A_23 : vector<10000x4xi16> to vector<10000x4xi32>
    %shift_left3A = arith.constant 16 : i32
    %shift_left3A_25 = vector.broadcast %shift_left3A : i32 to vector<10000x4xi32>
    %shift_left3A_26 = arith.shli %convert_element_type3A_24, %shift_left3A_25 : vector<10000x4xi32>
    %or3A = arith.ori %convert_element_type3A_20, %shift_left3A_26 : vector<10000x4xi32>
    %bitcast_convert_type3A_27 = tpu.bitcast %or3A : vector<10000x4xi32> -> vector<10000x4xi32>
    %slice3A_28 = vector.extract_strided_slice %mul3A_19 {offsets = [0, 0], sizes = [10000, 4], strides = [1, 1]} : vector<10000x8xf32> to vector<10000x4xf32>
    %convert_element_type3A_29 = arith.truncf %slice3A_28 : vector<10000x4xf32> to vector<10000x4xbf16>
    %bitcast_convert_type3A_30 = tpu.bitcast %convert_element_type3A_29 : vector<10000x4xbf16> -> vector<10000x4xi16>
    %convert_element_type3A_31 = arith.extui %bitcast_convert_type3A_30 : vector<10000x4xi16> to vector<10000x4xi32>
    %slice3A_32 = vector.extract_strided_slice %mul3A_19 {offsets = [0, 4], sizes = [10000, 4], strides = [1, 1]} : vector<10000x8xf32> to vector<10000x4xf32>
    %convert_element_type3A_33 = arith.truncf %slice3A_32 : vector<10000x4xf32> to vector<10000x4xbf16>
    %bitcast_convert_type3A_34 = tpu.bitcast %convert_element_type3A_33 : vector<10000x4xbf16> -> vector<10000x4xi16>
    %convert_element_type3A_35 = arith.extui %bitcast_convert_type3A_34 : vector<10000x4xi16> to vector<10000x4xi32>
    %shift_left3A_36 = arith.constant 16 : i32
    %shift_left3A_37 = vector.broadcast %shift_left3A_36 : i32 to vector<10000x4xi32>
    %shift_left3A_38 = arith.shli %convert_element_type3A_35, %shift_left3A_37 : vector<10000x4xi32>
    %or3A_39 = arith.ori %convert_element_type3A_31, %shift_left3A_38 : vector<10000x4xi32>
    %bitcast_convert_type3A_40 = tpu.bitcast %or3A_39 : vector<10000x4xi32> -> vector<10000x4xi32>
    %concatenate3A = tpu.concatenate %bitcast_convert_type3A_27, %bitcast_convert_type3A_40 in 1 : vector<10000x4xi32>, vector<10000x4xi32> -> vector<10000x8xi32>
    %swap3A = arith.constant 0 : index
    %swap3A_41 = arith.constant 0 : index
    %swap3A_42 = vector.load %arg3[%swap3A, %swap3A_41] : memref<10000x8xi32, #tpu.memory_space<vmem>>, vector<10000x8xi32>
    tpu.vector_store %arg3[%swap3A, %swap3A_41], %concatenate3A {strides = array<i32>} : memref<10000x8xi32, #tpu.memory_space<vmem>>, vector<10000x8xi32>,
    return
  }
}

</mosaic_0001>

<sc_bundles>
// kernel: kernel.4.cloned.1.call-start
scs
__scs_entry_jumppad:
0x0: {  	(pc) =	sbr.rel $0x88, $3  }
0x1: {  	(tag) =	ssettag $0x0;
	lr =	simm.s32 $0x1  }
0x2: {  	[smem:$0x3F9A] =	sst lr;
	_ =	strace $0xD0000000  }
0x3: {  	_ = 	snop  }
0x4: {  	_ = 	snop  }
0x5: {  	_ = 	snop  }
0x6: {  	_ = 	snop  }
0x7: {  	_ = 	snop  }
__scs_overlays_trampoline_lowered:
0x8: {  	[smem:$0x3FA9] =	sst s0  }
0x9: {  	[smem:$0x3FAA] =	sst s1  }
0xa: {  	[smem:$0x3FAB] =	sst s2  }
0xb: {  	[smem:$0x3FAC] =	sst s3  }
0xc: {  	[smem:$0x3FAD] =	sst s4  }
0xd: {  	[smem:$0x3FAE] =	sst s5  }
0xe: {  	[smem:$0x3FAF] =	sst s6  }
0xf: {  	[smem:$0x3FB0] =	sst s7  }
0x10: {  	[smem:$0x3FB1] =	sst s8  }
0x11: {  	[smem:$0x3FB2] =	sst s9;
	s0 =	simm.s32 @!p0 $0x0  }
0x12: {  	s1 =	sld [smem:$0x3F98];
	s0 =	simm.s32 @p0 $0x1  }
0x13: {  	[smem:$0x3FB3] =	sst s0;
	s0 =	simm.s32 @!p1 $0x0  }
0x14: {  	s2 =	sld [smem:$0x3F97];
	s0 =	simm.s32 @p1 $0x1  }
0x15: {  	[smem:$0x3FB4] =	sst s0;
	s0 =	simm.s32 @!p2 $0x0  }
0x16: {  	s3 =	sld [smem:$0x3FDB];
	s0 =	simm.s32 @p2 $0x1  }
0x17: {  	s4 =	simm.s32 $0x1BF5;
	[smem:$0x3FB6] =	sst s0  }
0x18: {  	s0 =	sld [smem:$0x3F99];
	_ =	swait.ge [sflag:s4], $0x0  }
0x19: {  	s7 =	sld [smem:$0x3F9A]  }
0x1a: {  	s8 =	sadd.s32 $0xFFFFE003, lr  }
0x1b: {  	s9 =	sadd.s32 $0xFFFFFEF7, lr;
	s5 =	simm.s32 $0xFFFFFFFF;
	p2 =	slt.u32 s8, $0xFFFFF086  }
0x1c: {  	p1 =	slt.u32 s9, $0xF7A;
	s5 =	simm.s32 @!p2 $0x0  }
0x1d: {  	s5 =	simm.s32 @p1 $0x1;
	p0 =	seq.s32 s7, s2  }
0x1e: {  	s7 =	smul.u32 @!p0 $0xF7A, s2;
	p2 =	seq.s32 @!p0 s5, $0x0  }
0x1f: {  	s9 =	smul.u32 $0xF7A, s1;
	s8 =	simm.s32 @!p0 $0x1BF5;
	p2 =	por !p2, p0  }
0x20: {  	[sflag:s8] =	ssyncset.s32 @!p0 $0xFFFFF086;
	s6 =	sadd.s32 @!p0 s3, s7;
	s7 =	simm.s32 @!p0 $0x108  }
0x21: {  	s3 =	sadd.s32 s3, s9;
	s6 =	sadd.s32 @!p0 $0x88, s6;
	s7 =	simm.s32 @p2 $0x1082  }
0x22: {  	[simem:s7], [sflag:s8] =	dma.local @!p0 [hbm:s6], $0xF7A  }
0x23: {  	s9 =	sor.u32 $0xD0000000, s2;
	s6 =	simm.s32 $0x108;
	_ =	swait.ge @!p0 [sflag:s8], $0x0  }
0x24: {  	s3 =	sadd.s32 $0x88, s3;
	s6 =	simm.s32 @!p1 $0x1082;
	[sflag:s4] =	ssyncset.s32 $0xFFFFF086  }
0x25: {  	[simem:s6], [sflag:s4] =	dma.local [hbm:s3], $0xF7A  }
0x26: {  	[smem:$0x3F9A] =	sst s1;
	(tag) =	ssettag s2;
	_ =	strace s9  }
0x27: {  	s1 =	sld [smem:$0x3FAA]  }
0x28: {  	s2 =	sld [smem:$0x3FAB]  }
0x29: {  	s4 =	sld [smem:$0x3FAD]  }
0x2a: {  	p0 =	seq.s32 s5, $0x0;
	s5 =	sld [smem:$0x3FAE]  }
0x2b: {  	s6 =	sld [smem:$0x3FAF]  }
0x2c: {  	s7 =	sld [smem:$0x3FB0]  }
0x2d: {  	s3 =	simm.s32 $0x108;
	s8 =	sld [smem:$0x3FB1]  }
0x2e: {  	s3 =	simm.s32 @!p0 $0x1082;
	s9 =	sld [smem:$0x3FB2]  }
0x2f: {  	lr =	sadd.s32 s0, s3;
	s0 =	sld [smem:$0x3FA9]  }
0x30: {  	s3 =	sld [smem:$0x3FAC]  }
0x31: {  	[smem:$0x3FB5] =	sst s10  }
0x32: {  	s10 =	sld [smem:$0x3FB3];
	_ =	sdelay $0x3  }
0x33: {  	p0 =	seq.s32 s10, $0x1;
	s10 =	sld [smem:$0x3FB5];
	_ =	sdelay $0x3  }
0x34: {  	[smem:$0x3FB5] =	sst s10  }
0x35: {  	s10 =	sld [smem:$0x3FB4];
	_ =	sdelay $0x3  }
0x36: {  	p1 =	seq.s32 s10, $0x1;
	s10 =	sld [smem:$0x3FB5];
	_ =	sdelay $0x3  }
0x37: {  	[smem:$0x3FB5] =	sst s10  }
0x38: {  	s10 =	sld [smem:$0x3FB6]  }
0x39: {  	_ = 	snop;
	(pc) =	sbr.ind lr, $3  }
0x3a: {  	_ = 	snop  }
0x3b: {  	_ = 	snop  }
0x3c: {  	p2 =	seq.s32 s10, $0x1;
	s10 =	sld [smem:$0x3FB5]  }
0x3d: {  	_ =	shalt  }
0x3e: {  	_ =	shalt  }
0x3f: {  	_ =	shalt  }
0x40: {  	_ =	shalt  }
0x41: {  	_ =	shalt  }
0x42: {  	_ =	shalt  }
0x43: {  	_ =	shalt  }
0x44: {  	_ =	shalt  }
0x45: {  	_ =	shalt  }
0x46: {  	_ =	shalt  }
0x47: {  	_ =	shalt  }
0x48: {  	_ =	shalt  }
0x49: {  	_ =	shalt  }
0x4a: {  	_ =	shalt  }
0x4b: {  	_ =	shalt  }
0x4c: {  	_ =	shalt  }
0x4d: {  	_ =	shalt  }
0x4e: {  	_ =	shalt  }
0x4f: {  	_ =	shalt  }
0x50: {  	_ =	shalt  }
0x51: {  	_ =	shalt  }
0x52: {  	_ =	shalt  }
0x53: {  	_ =	shalt  }
0x54: {  	_ =	shalt  }
0x55: {  	_ =	shalt  }
0x56: {  	_ =	shalt  }
0x57: {  	_ =	shalt  }
0x58: {  	_ =	shalt  }
0x59: {  	_ =	shalt  }
0x5a: {  	_ =	shalt  }
0x5b: {  	_ =	shalt  }
0x5c: {  	_ =	shalt  }
0x5d: {  	_ =	shalt  }
0x5e: {  	_ =	shalt  }
0x5f: {  	_ =	shalt  }
0x60: {  	_ =	shalt  }
0x61: {  	_ =	shalt  }
0x62: {  	_ =	shalt  }
0x63: {  	_ =	shalt  }
0x64: {  	_ =	shalt  }
0x65: {  	_ =	shalt  }
0x66: {  	_ =	shalt  }
0x67: {  	_ =	shalt  }
0x68: {  	_ =	shalt  }
0x69: {  	_ =	shalt  }
0x6a: {  	_ =	shalt  }
0x6b: {  	_ =	shalt  }
0x6c: {  	_ =	shalt  }
0x6d: {  	_ =	shalt  }
0x6e: {  	_ =	shalt  }
0x6f: {  	_ =	shalt  }
0x70: {  	_ =	shalt  }
0x71: {  	_ =	shalt  }
0x72: {  	_ =	shalt  }
0x73: {  	_ =	shalt  }
0x74: {  	_ =	shalt  }
0x75: {  	_ =	shalt  }
0x76: {  	_ =	shalt  }
0x77: {  	_ =	shalt  }
0x78: {  	_ =	shalt  }
0x79: {  	_ =	shalt  }
0x7a: {  	_ =	shalt  }
0x7b: {  	_ =	shalt  }
0x7c: {  	_ =	shalt  }
0x7d: {  	_ =	shalt  }
0x7e: {  	_ =	shalt  }
0x7f: {  	_ =	shalt  }
0x80: {  	_ =	shalt  }
0x81: {  	_ =	shalt  }
0x82: {  	_ =	shalt  }
0x83: {  	_ =	shalt  }
0x84: {  	_ =	shalt  }
0x85: {  	_ =	shalt  }
0x86: {  	_ =	shalt  }
0x87: {  	_ =	shalt  }
.Lfunc_end0:
.L_simem_size_0:
called_computation_lowered:
.L_overlay_start_0:
0x88: {  	s2 =	sld [smem:$0x3FD9]  }
0x89: {  	s3 =	sld [smem:$0x3FFE];
	_ =	sdelay $0x1  }
0x8a: {  	s1 =	srdreg.scid  }
0x8b: {  	s0 =	sand.u32 $0x1, s1  }
0x8c: {  	s17 =	sshll.u32 s0, $0xA;
	s2 =	sadd.s32 s3, s2  }
0x8d: {  	s2 =	sadd.s32 s2, s17  }
0x8e: {  	[smem:$0x3FC1] =	sst s2  }
0x8f: {  	_ = 	snop  }
0x90: {  	s2 =	sld [smem:$0x3FD0];
	(tm) =	ssettm $0x1  }
0x91: {  	s18 =	sld [smem:$0x3FFB];
	_ =	sdelay $0x3  }
0x92: {  	_ =	strace s18  }
0x93: {  	s3 =	sld [smem:$0x3FFC];
	_ =	sdelay $0x3  }
0x94: {  	_ =	strace s3  }
0x95: {  	s3 =	sld [smem:$0x3FFD];
	_ =	sdelay $0x3  }
0x96: {  	_ =	strace s3  }
0x97: {  	_ =	strace $0x8FFFFFFF  }
0x98: {  	s19 =	sld [smem:$0x3FDB];
	_ =	sdelay $0x1  }
0x99: {  	s4 =	simm.s32 $_scs_section_size  }
0x9a: {  	s5 =	simm.s32 $_size__tile_overlayer_lowered;
	s6 =	simm.s32 $_tile_overlayer_lowered  }
0x9b: {  	s22 =	simm.s32 $0x1BFF;
	s21 =	sshll.u32 s6, $0x1;
	s3 =	sadd.s32 s4, s19  }
0x9c: {  	s7 =	simm.s32 $0x0;
	s20 =	sshll.u32 s5, $0x1;
	s5 =	sadd.s32 s21, s3  }
0x9d: {  	[timem:s7], [sflag:s22] =	dma.local [hbm:s5], s20  }
0x9e: {  	_ =	swait.ge [sflag:s22], s20  }
0x9f: {  	s4 =	ssub.s32 $0x0, s20;
	[sflag:s22] =	ssyncset.done $0x0  }
0xa0: {  	[sflag:s22] =	ssyncadd.s32 s4;
	_ =	sdelay $0x1  }
0xa1: {  	s23 =	simm.s32 $0x1B8B  }
0xa2: {  	_ =	swait.ge [sflag:s23], $0x1  }
0xa3: {  	[sflag:s23] =	ssyncset.done $0x0  }
0xa4: {  	s25 =	simm.s32 $0x1B8E;
	s24 =	sld [smem:$0x3FFE];
	[sflag:s23] =	ssyncadd.s32 $0xFFFFFFFF  }
0xa5: {  	s26 =	simm.s32 $execute0_lowered;
	[smem:$0x3FD2] =	sst s25  }
0xa6: {  	s5 =	sshll.u32 s26, $0x1;
	_ =	strace $0x80000046;
	[dreg:$0x1] =	wrdreg $0xFFFFFFFF  }
0xa7: {  	s28 =	simm.s32 $_size_execute0_lowered;
	s3 =	sadd.s32 s3, s5;
	[dreg:$0x0] =	wrdreg $0x0  }
0xa8: {  	s5 =	sshll.u32 s28, $0x1;
	[dreg:$0x2] =	wrdreg s3  }
0xa9: {  	[dreg:$0x3] =	wrdreg s5  }
0xaa: {  	[dreg:$0x4] =	wrdreg $0xC0  }
0xab: {  	_ =	task [dreg:s7], $0x5FFFF  }
0xac: {  	[dreg:$0x1] =	wrdreg $0xFFFFFFFF  }
0xad: {  	[dreg:$0x0] =	wrdreg $0x60  }
0xae: {  	[dreg:$0x2] =	wrdreg s2  }
0xaf: {  	[dreg:$0x3] =	wrdreg s24  }
0xb0: {  	[dreg:$0x4] =	wrdreg $0x9  }
0xb1: {  	_ =	task.clear_ibuf [dreg:s7], $0x5FFFF;
	_ =	strace $0x90000046  }
0xb2: {  	s29 =	simm.s32 $0x9;
	_ =	strace $0x80000048  }
0xb3: {  	_ =	swait.ge [sflag:s29], $0x1  }
0xb4: {  	[sflag:s29] =	ssyncadd.s32 $0xFFFFFFFF  }
0xb5: {  	_ =	strace $0x90000048  }
0xb6: {  	_ =	sfence  }
0xb7: {  	s30 =	sld [smem:$0x0];
	_ =	sdelay $0x2  }
0xb8: {  	s31 =	sshll.u32 s1, $0xD;
	s1 =	sshrl.u32 s1, $0x2  }
0xb9: {  	s3 =	sand.u32 $0x4000, s31;
	s1 =	sadd.s32 s1, s30  }
0xba: {  	s0 =	sor.u32 s3, s0;
	s1 =	sshll.u32 s1, $0x11  }
0xbb: {  	s0 =	sor.u32 s1, s0  }
0xbc: {  	s0 =	sadd.s32 $0x8F2B, s0  }
0xbd: {  	[sflag:s0] =	ssyncadd.remote.s32 $0x1  }
0xbe: {  	_ =	sfence.sel $0xFFFF  }
0xbf: {  	[dreg:$0x0] =	wrdreg $0xFFFFFFFF;
	(pc) =	sbr.abs _section_cstart, $3  }
0xc0: {  	[dreg:$0x1] =	wrdreg $0xFFFFFFFF  }
0xc1: {  	_ =	task.clear_ibuf [dreg:s7], $0x2FFFF;
	_ =	strace $0x9FFFFFFF  }
0xc2: {  	(tm) =	ssettm $0x7FFFFFFF  }
0xc3: {  	_ =	shalt  }
tec
execute0_lowered:
.L_overlay_start_1:
0x0: {  	(tag) =	ssettag $0x1  }
0x1: {  	s2 =	rddreg [dreg:$0x0];
	s1 =	srdreg.scid  }
0x2: {  	s0 =	stileid.u32;
	s5 =	rddreg [dreg:$0x1]  }
0x3: {  	s3 =	simm.s32 $0x0;
	s10 =	simm.s32 $0x15F90;
	s11 =	simm.s32 $0x1ADB0  }
0x4: {  	s12 =	simm.s32 $0x4;
	s13 =	simm.s32 $0x2;
	s14 =	simm.s32 $0x3  }
0x5: {  	s15 =	simm.s32 $0x1;
	s4 =	sand.u32 $0x1, s1;
	s6 =	sshll.u32 s0, $0x1  }
0x6: {  	s16 =	simm.s32 $0x186A0;
	s17 =	simm.s32 $0x5;
	s6 =	sor.u32 s4, s6  }
0x7: {  	s18 =	simm.s32 $0x0;
	[smem:$0x7FF] =	sst s3;
	s6 =	smul.u32 $0x4E2, s6  }
0x8: {  	s1 =	rddreg [dreg:$0x2];
	_ =	strace $0x80000047;
	s7 =	ssub.s32 $0x2, s4  }
0x9: {  	s4 =	sadd.s32 $0x14000, s5;
	s31 =	sshrl.u32 s7, $0x1;
	s8 =	sadd.s32 s6, s5  }
0xa: {  	s9 =	ssub.s32 s7, s31;
	s5 =	sadd.s32 $0xA200, s8;
	s6 =	sadd.s32 $0x400, s8  }
0xb: {  	s7 =	sadd.s32 $0x14200, s8;
	s8 =	smax.u32 s9, $0x1;
	s9 =	simm.s32 $0x13880  }
.LBB2_1:
0xc: {  	[tilespmem:s3], [sflag:$0x1] =	stream.linear.gather [hbm4b:s2+s3], $0x13880, $0x38;
	[tilespmem:$0x1AEB0] =	vst v63  }
0xd: {  	_ = 	snop  }
0xe: {  	[tilespmem:s9], [sflag:$0x2] =	stream.linear.gather [hbm4b:s5+s3], $0x2710, $0x38;
	[tilespmem:$0x1AEB0] =	vst v63  }
0xf: {  	_ = 	snop  }
0x10: {  	[tilespmem:s10], [sflag:$0x3] =	stream.linear.gather [hbm4b:s6+s3], $0x2710, $0x38;
	[tilespmem:$0x1AEB0] =	vst v63  }
0x11: {  	_ = 	snop  }
0x12: {  	[tilespmem:s11], [sflag:$0x4] =	stream.linear.gather [hbm4b:s4+s3], $0x100, $0x38;
	[tilespmem:$0x1AEB0] =	vst v63  }
0x13: {  	_ =	swait.ge [sflag:s12], $0x100  }
0x14: {  	[sflag:s12] =	ssyncset.done $0x0  }
0x15: {  	[sflag:s12] =	ssyncadd.s32 $0xFFFFFF00  }
0x16: {  	_ =	swait.ge [sflag:s13], $0x2710  }
0x17: {  	[sflag:s13] =	ssyncset.done $0x0  }
0x18: {  	[sflag:s13] =	ssyncadd.s32 $0xFFFFD8F0  }
0x19: {  	_ =	swait.ge [sflag:s14], $0x2710  }
0x1a: {  	[sflag:s14] =	ssyncset.done $0x0  }
0x1b: {  	[sflag:s14] =	ssyncadd.s32 $0xFFFFD8F0  }
0x1c: {  	_ =	swait.ge [sflag:s15], $0x13880  }
0x1d: {  	[sflag:s15] =	ssyncset.done $0x0  }
0x1e: {  	[sflag:s15] =	ssyncadd.s32 $0xFFFEC780  }
0x1f: {  	v0 =	vld [tilespmem:$0x1ADB0]  }
0x20: {  	v1 =	vld [tilespmem:$0x1AE30];
	_ =	sdelay $0x1  }
0x21: {  	v2 =	vld [tilespmem:$0x1ADC0];
	_ =	sdelay $0x1  }
0x22: {  	v3 =	vld [tilespmem:$0x1ADD0]  }
0x23: {  	v4 =	vld [tilespmem:$0x1ADE0];
	v1 =	vadd.f32 v1, v0  }
0x24: {  	v5 =	vld [tilespmem:$0x1ADF0]  }
0x25: {  	v6 =	vld [tilespmem:$0x1AE00];
	v1 =	vadd.f32 v1, v2  }
0x26: {  	v7 =	vld [tilespmem:$0x1AE10]  }
0x27: {  	s19 =	simm.s32 $0x138A0;
	v9 =	vld [tilespmem:$0x1AE20];
	v1 =	vadd.f32 v1, v3  }
0x28: {  	s20 =	simm.s32 $0x15FB0;
	v10 =	vld [tilespmem:s19+$0x20]  }
0x29: {  	v11 =	vld [tilespmem:s20+$0x20];
	v1 =	vadd.f32 v1, v4  }
0x2a: {  	v12 =	vld [tilespmem:s20+$0xFFFFFFE0]  }
0x2b: {  	v13 =	vld [tilespmem:s20+$0xFFFFFFF0];
	v1 =	vadd.f32 v1, v5  }
0x2c: {  	v14 =	vld [tilespmem:s20+$0x0]  }
0x2d: {  	v15 =	vld [tilespmem:s20+$0x10];
	v8 =	vadd.f32 v1, v6  }
0x2e: {  	v16 =	vld [tilespmem:s19+$0x0]  }
0x2f: {  	v19 =	vld [tilespmem:s19+$0x10];
	v11 =	vshll.u32 v11, $0x3;
	v57 =	vadd.f32 v8, v7  }
0x30: {  	v10 =	vshll.u32 v10, $0x3;
	v17 =	vor.u32 $0x4, v11  }
0x31: {  	v1 =	vmul.f32 $-2.000000000e+00, v0;
	v0 =	vmul.f32 $-2.000000000e+00, v9;
	v8 =	vadd.f32 v57, v9;
	v9 =	vld [tilespmem:s19+$0xFFFFFFF0]  }
0x32: {  	v12 =	vshll.u32 v12, $0x3;
	v13 =	vshll.u32 v13, $0x3;
	v20 =	vor.u32 $0x1, v10  }
0x33: {  	v23 =	vshll.u32 v14, $0x3;
	v25 =	vshll.u32 v15, $0x3;
	v14 =	vor.u32 $0x5, v11  }
0x34: {  	v33 =	vshll.u32 v16, $0x3;
	v34 =	vshll.u32 v19, $0x3;
	v15 =	vor.u32 $0x2, v10  }
0x35: {  	v18 =	vor.u32 $0x4, v12;
	v22 =	vor.u32 $0x4, v13;
	v31 =	vld.idx.msk [tilespmem:v10+s3+$0x0], $0xffff;
	v10 =	vor.u32 $0x3, v10  }
0x36: {  	v24 =	vor.u32 $0x4, v23;
	v16 =	vld.idx.msk [tilespmem:v17+s3+$0x0], $0xffff;
	v28 =	vshll.u32 v9, $0x3;
	v9 =	vor.u32 $0x6, v11  }
0x37: {  	v30 =	vor.u32 $0x4, v25;
	v32 =	vor.u32 $0x5, v12;
	v19 =	vld.idx.msk [tilespmem:v20+s3+$0x0], $0xffff;
	v11 =	vor.u32 $0x7, v11  }
0x38: {  	v35 =	vor.u32 $0x1, v33;
	v37 =	vor.u32 $0x5, v23;
	v38 =	vor.u32 $0x1, v34;
	v14 =	vld.idx.msk [tilespmem:v14+s3+$0x0], $0xffff  }
0x39: {  	v40 =	vor.u32 $0x6, v12;
	v41 =	vor.u32 $0x5, v25;
	v44 =	vor.u32 $0x6, v13;
	v15 =	vld.idx.msk [tilespmem:v15+s3+$0x0], $0xffff  }
0x3a: {  	v45 =	vor.u32 $0x2, v33;
	v47 =	vor.u32 $0x6, v23;
	v49 =	vor.u32 $0x2, v34;
	v46 =	vld.idx.msk [tilespmem:v10+s3+$0x0], $0xffff  }
0x3b: {  	v50 =	vor.u32 $0x6, v25;
	v10 =	vshll.u32 v16, $0x10;
	v42 =	vld.idx.msk [tilespmem:v9+s3+$0x0], $0xffff;
	v9 =	vshll.u32 v31, $0x10  }
0x3c: {  	v26 =	vor.u32 $0x7, v12;
	v51 =	vor.u32 $0x3, v33;
	v48 =	vld.idx.msk [tilespmem:v11+s3+$0x0], $0xffff;
	v9 =	vadd.f32 v10, v9  }
0x3d: {  	v52 =	vor.u32 $0x7, v23;
	v2 =	vmul.f32 $-2.000000000e+00, v2;
	v3 =	vmul.f32 $-2.000000000e+00, v3  }
0x3e: {  	v11 =	vshll.u32 v14, $0x10;
	v10 =	vshll.u32 v19, $0x10;
	v9 =	vmul.f32 $1.442695020e+00, v9  }
0x3f: {  	v4 =	vmul.f32 $-2.000000000e+00, v4;
	v16 =	vand.u32 $0xFFFF0000, v16;
	v10 =	vadd.f32 v11, v10  }
0x40: {  	v21 =	vld [tilespmem:s19+$0xFFFFFFE0];
	v11 =	vshll.u32 v15, $0x10;
	v12 =	vshll.u32 v42, $0x10;
	(erf) = vpow2.f32 v9  }
0x41: {  	v9 =	vshll.u32 v46, $0x10;
	v11 =	vadd.f32 v12, v11;
	v12 =	vshll.u32 v48, $0x10  }
0x42: {  	v58 =	vand.u32 $0xFFFF0000, v15;
	v10 =	vmul.f32 $1.442695020e+00, v10;
	v12 =	vadd.f32 v12, v9  }
0x43: {  	v17 =	vor.u32 $0x1, v28;
	v9 =	vld.idx.msk [tilespmem:v18+s3+$0x0], $0xffff;
	v18 =	vand.u32 $0xFFFF0000, v31;
	v11 =	vmul.f32 $1.442695020e+00, v11  }
0x44: {  	(erf) = vpow2.f32 v10;
	v15 =	vadd.f32 v16, v18;
	v16 =	vmul.f32 $1.442695020e+00, v12  }
0x45: {  	v20 =	vshll.u32 v21, $0x3;
	v21 =	vor.u32 $0x5, v13;
	(erf) = vpow2.f32 v11  }
0x46: {  	v14 =	vand.u32 $0xFFFF0000, v14;
	v18 =	vand.u32 $0xFFFF0000, v19;
	(erf) = vpow2.f32 v16  }
0x47: {  	v36 =	vor.u32 $0x1, v20;
	v19 =	vand.u32 $0xFFFF0000, v42;
	v14 =	vadd.f32 v14, v18  }
0x48: {  	v12 =	vld.idx.msk [tilespmem:v30+s3+$0x0], $0xffff;
	v30 =	vor.u32 $0x7, v13;
	v13 =	vadd.f32 v19, v58;
	v18 =	vmul.f32 $1.442695020e+00, v15  }
0x49: {  	v39 =	vor.u32 $0x2, v20;
	v5 =	vmul.f32 $-2.000000000e+00, v5;
	v17 =	vld.idx.msk [tilespmem:v17+s3+$0x0], $0xffff;
	v14 =	vmul.f32 $1.442695020e+00, v14  }
0x4a: {  	v27 =	vor.u32 $0x3, v20;
	v6 =	vmul.f32 $-2.000000000e+00, v6;
	v10 =	vld.idx.msk [tilespmem:v22+s3+$0x0], $0xffff;
	(erf) = vpow2.f32 v18  }
0x4b: {  	v19 =	vand.u32 $0xFFFF0000, v46;
	v15 =	vld.idx.msk [tilespmem:v20+s3+$0x0], $0xffff;
	v20 =	vand.u32 $0xFFFF0000, v48;
	(erf) = vpow2.f32 v14  }
0x4c: {  	v7 =	vmul.f32 $-2.000000000e+00, v7;
	v19 =	vadd.f32 v20, v19;
	v22 =	vmul.f32 $1.442695020e+00, v13;
	v13 =	vpop (erf)  }
0x4d: {  	v43 =	vor.u32 $0x2, v28;
	v29 =	vor.u32 $0x3, v28;
	v59 =	vadd.f32 $1.000000000e+00, v13;
	v60 =	vpop (erf)  }
0x4e: {  	v48 =	vshll.u32 v17, $0x10;
	v19 =	vmul.f32 $1.442695020e+00, v19;
	(erf) = vpow2.f32 v22;
	v56 =	vpop (erf)  }
0x4f: {  	v11 =	vld.idx.msk [tilespmem:v24+s3+$0x0], $0xffff;
	v17 =	vand.u32 $0xFFFF0000, v17;
	v22 =	vadd.f32 $1.000000000e+00, v60;
	(erf) = vrcp.f32 v59;
	v23 =	vpop (erf)  }
0x50: {  	v16 =	vld.idx.msk [tilespmem:v28+s3+$0x0], $0xffff;
	v28 =	vshll.u32 v10, $0x10;
	(erf) = vpow2.f32 v19;
	v23 =	vadd.f32 $1.000000000e+00, v23  }
0x51: {  	v20 =	vld.idx.msk [tilespmem:v34+s3+$0x0], $0xffff;
	v34 =	vor.u32 $0x3, v34;
	(erf) = vrcp.f32 v22;
	v46 =	vadd.f32 $1.000000000e+00, v56  }
0x52: {  	v10 =	vand.u32 $0xFFFF0000, v10;
	v24 =	vshll.u32 v9, $0x10;
	v9 =	vand.u32 $0xFFFF0000, v9  }
0x53: {  	v18 =	vld.idx.msk [tilespmem:v33+s3+$0x0], $0xffff;
	v61 =	vshll.u32 v12, $0x10;
	v12 =	vand.u32 $0xFFFF0000, v12;
	v59 =	vpop (erf);
	(erf) = vrcp.f32 v46  }
0x54: {  	v13 =	vld.idx.msk [tilespmem:v36+s3+$0x0], $0xffff;
	v36 =	vshll.u32 v11, $0x10;
	v62 =	vshll.u32 v15, $0x10;
	(erf) = vrcp.f32 v23;
	v23 =	vpop (erf)  }
0x55: {  	v14 =	vld.idx.msk [tilespmem:v32+s3+$0x0], $0xffff;
	v46 =	vor.u32 $0x7, v25;
	v25 =	vadd.f32 $1.000000000e+00, v59;
	v60 =	vadd.f32 $1.000000000e+00, v23  }
0x56: {  	v15 =	vand.u32 $0xFFFF0000, v15;
	v58 =	vshll.u32 v20, $0x10;
	v31 =	vadd.f32 v24, v62;
	v24 =	vld.idx.msk [tilespmem:v38+s3+$0x0], $0xffff  }
0x57: {  	v63 =	vshll.u32 v16, $0x10;
	v32 =	vadd.f32 v61, v58;
	v19 =	vld.idx.msk [tilespmem:v21+s3+$0x0], $0xffff;
	(erf) = vrcp.f32 v25;
	v61 =	vpop (erf)  }
0x58: {  	v28 =	vadd.f32 v28, v63;
	v21 =	vld.idx.msk [tilespmem:v35+s3+$0x0], $0xffff;
	v62 =	vpop (erf);
	v63 =	vadd.f32 $1.000000000e+00, v61;
	(erf) = vrcp.f32 v60  }
0x59: {  	v11 =	vand.u32 $0xFFFF0000, v11;
	v57 =	vshll.u32 v18, $0x10;
	v22 =	vld.idx.msk [tilespmem:v37+s3+$0x0], $0xffff;
	v37 =	vmul.f32 v62, v1;
	v60 =	vpop (erf)  }
0x5a: {  	v42 =	vadd.f32 v36, v57;
	v36 =	vld.idx.msk [tilespmem:v41+s3+$0x0], $0xffff;
	v56 =	vmul.f32 $1.442695020e+00, v31;
	(erf) = vrcp.f32 v63;
	v61 =	vpop (erf)  }
0x5b: {  	v25 =	vld.idx.msk [tilespmem:v40+s3+$0x0], $0xffff;
	v62 =	vadd.f32 v37, v8;
	v31 =	vadd.f32 $1.000000000e+00, v60;
	v40 =	vmul.f32 v61, v2  }
0x5c: {  	v16 =	vand.u32 $0xFFFF0000, v16;
	v20 =	vand.u32 $0xFFFF0000, v20;
	v57 =	vmul.f32 $1.442695020e+00, v28;
	v23 =	vld.idx.msk [tilespmem:v39+s3+$0x0], $0xffff;
	v60 =	vpop (erf)  }
0x5d: {  	v35 =	vld.idx.msk [tilespmem:v44+s3+$0x0], $0xffff;
	v28 =	vmul.f32 v60, v3;
	(erf) = vrcp.f32 v31;
	v44 =	vadd.f32 v40, v62  }
0x5e: {  	v9 =	vadd.f32 v9, v15;
	v38 =	vshll.u32 v14, $0x10;
	v53 =	vshll.u32 v13, $0x10;
	v61 =	vpop (erf)  }
0x5f: {  	v33 =	vld.idx.msk [tilespmem:v43+s3+$0x0], $0xffff;
	v43 =	vshll.u32 v24, $0x10;
	v31 =	vmul.f32 v61, v4;
	v28 =	vadd.f32 v28, v44  }
0x60: {  	v53 =	vadd.f32 v38, v53;
	v54 =	vshll.u32 v21, $0x10;
	v55 =	vshll.u32 v22, $0x10;
	v59 =	vpop (erf)  }
0x61: {  	v37 =	vld.idx.msk [tilespmem:v45+s3+$0x0], $0xffff;
	v62 =	vshll.u32 v23, $0x10;
	v45 =	vmul.f32 v59, v5;
	v61 =	vpop (erf);
	v31 =	vadd.f32 v31, v28  }
0x62: {  	v38 =	vld.idx.msk [tilespmem:v47+s3+$0x0], $0xffff;
	v47 =	vadd.f32 v55, v54;
	v63 =	vshll.u32 v36, $0x10;
	v55 =	vmul.f32 v61, v6  }
0x63: {  	v43 =	vadd.f32 v63, v43;
	v63 =	vshll.u32 v25, $0x10;
	v45 =	vadd.f32 v31, v45  }
0x64: {  	v18 =	vand.u32 $0xFFFF0000, v18;
	v10 =	vadd.f32 v10, v16;
	v44 =	vadd.f32 v63, v62;
	v62 =	vpop (erf)  }
0x65: {  	v12 =	vadd.f32 v12, v20;
	v63 =	vmul.f32 v62, v7;
	v45 =	vadd.f32 v45, v55  }
0x66: {  	v29 =	vld.idx.msk [tilespmem:v29+s3+$0x0], $0xffff;
	v42 =	vmul.f32 $1.442695020e+00, v42;
	v41 =	vshll.u32 v19, $0x10;
	(erf) = vpow2.f32 v56;
	v55 =	vpop (erf)  }
0x67: {  	v30 =	vld.idx.msk [tilespmem:v30+s3+$0x0], $0xffff;
	(erf) = vpow2.f32 v57;
	v57 =	vmul.f32 v55, v0;
	v56 =	vadd.f32 v45, v63  }
0x68: {  	v11 =	vadd.f32 v11, v18;
	v9 =	vmul.f32 $1.442695020e+00, v9;
	v41 =	vadd.f32 v41, v48;
	v39 =	vld.idx.msk [tilespmem:v49+s3+$0x0], $0xffff  }
0x69: {  	v48 =	vmul.f32 $1.442695020e+00, v32;
	v32 =	vld.idx.msk [tilespmem:v52+s3+$0x0], $0xffff;
	(erf) = vpow2.f32 v42;
	v42 =	vadd.f32 v56, v57  }
0x6a: {  	v53 =	vmul.f32 $1.442695020e+00, v53;
	v49 =	vshll.u32 v33, $0x10;
	v41 =	vmul.f32 $1.442695020e+00, v41;
	v40 =	vld.idx.msk [tilespmem:v50+s3+$0x0], $0xffff  }
0x6b: {  	(erf) = vpow2.f32 v48;
	v28 =	vld.idx.msk [tilespmem:v26+s3+$0x0], $0xffff;
	v26 =	vshll.u32 v35, $0x10;
	v42 =	vsub.f32 $0.0e+00, v42  }
0x6c: {  	v47 =	vmul.f32 $1.442695020e+00, v47;
	(erf) = vpow2.f32 v53;
	v49 =	vadd.f32 v26, v49;
	v26 =	vld.idx.msk [tilespmem:v46+s3+$0x0], $0xffff  }
0x6d: {  	v58 =	vshll.u32 v39, $0x10;
	(erf) = vpow2.f32 v41;
	v31 =	vld.idx.msk [tilespmem:v51+s3+$0x0], $0xffff;
	v42 =	vmul.f32 $1.442695020e+00, v42  }
0x6e: {  	v34 =	vld.idx.msk [tilespmem:v34+s3+$0x0], $0xffff;
	v43 =	vmul.f32 $1.442695020e+00, v43;
	v60 =	vshll.u32 v38, $0x10;
	(erf) = vpow2.f32 v47  }
0x6f: {  	v50 =	vshll.u32 v37, $0x10;
	v61 =	vshll.u32 v30, $0x10;
	(erf) = vpow2.f32 v42  }
0x70: {  	v59 =	vshll.u32 v40, $0x10;
	v46 =	vadd.f32 v60, v50;
	v60 =	vshll.u32 v29, $0x10  }
0x71: {  	v27 =	vld.idx.msk [tilespmem:v27+s3+$0x0], $0xffff;
	v60 =	vadd.f32 v61, v60;
	v45 =	vadd.f32 v59, v58;
	v59 =	vshll.u32 v26, $0x10;
	v56 =	vpop (erf)  }
0x72: {  	v62 =	vshll.u32 v32, $0x10;
	v61 =	vmul.f32 $1.442695020e+00, v49;
	v54 =	vshll.u32 v31, $0x10;
	v57 =	vpop (erf)  }
0x73: {  	v44 =	vmul.f32 $1.442695020e+00, v44;
	v63 =	vshll.u32 v34, $0x10;
	v62 =	vadd.f32 v62, v54;
	v58 =	vpop (erf)  }
0x74: {  	v10 =	vmul.f32 $1.442695020e+00, v10;
	v63 =	vadd.f32 v59, v63;
	v59 =	vpop (erf);
	(erf) = vpow2.f32 v43  }
0x75: {  	v14 =	vand.u32 $0xFFFF0000, v14;
	v16 =	vmul.f32 $1.442695020e+00, v60;
	v60 =	vpop (erf);
	(erf) = vpow2.f32 v44  }
0x76: {  	v48 =	vshll.u32 v27, $0x10;
	v46 =	vmul.f32 $1.442695020e+00, v46;
	(erf) = vpow2.f32 v61;
	v61 =	vpop (erf)  }
0x77: {  	v50 =	vshll.u32 v28, $0x10;
	v45 =	vmul.f32 $1.442695020e+00, v45;
	v18 =	vmul.f32 $1.442695020e+00, v62;
	v62 =	vpop (erf)  }
0x78: {  	v41 =	vadd.f32 v50, v48;
	v20 =	vmul.f32 $1.442695020e+00, v63;
	(erf) = vpow2.f32 v46;
	v63 =	vpop (erf)  }
0x79: {  	v12 =	vmul.f32 $1.442695020e+00, v12;
	(erf) = vpow2.f32 v45;
	v45 =	vadd.f32 $1.000000000e+00, v63  }
0x7a: {  	v13 =	vand.u32 $0xFFFF0000, v13;
	v11 =	vmul.f32 $1.442695020e+00, v11;
	v15 =	vmul.f32 $1.442695020e+00, v41  }
0x7b: {  	v13 =	vadd.f32 v14, v13;
	v19 =	vand.u32 $0xFFFF0000, v19;
	(erf) = vrcp.f32 v45  }
0x7c: {  	v24 =	vand.u32 $0xFFFF0000, v24;
	v14 =	vadd.f32 v19, v17;
	(erf) = vpow2.f32 v15  }
0x7d: {  	v21 =	vand.u32 $0xFFFF0000, v21;
	v13 =	vmul.f32 $1.442695020e+00, v13;
	(erf) = vpow2.f32 v16  }
0x7e: {  	v22 =	vand.u32 $0xFFFF0000, v22;
	v14 =	vmul.f32 $1.442695020e+00, v14;
	(erf) = vpow2.f32 v18  }
0x7f: {  	v36 =	vand.u32 $0xFFFF0000, v36;
	v53 =	vand.u32 $0xFFFF0000, v30;
	v17 =	vpop (erf);
	(erf) = vpow2.f32 v20  }
0x80: {  	v26 =	vand.u32 $0xFFFF0000, v26;
	v19 =	vpop (erf);
	v45 =	vand.u32 $0xFFFF0000, v38;
	(erf) = vpow2.f32 v9  }
0x81: {  	v15 =	vadd.f32 v22, v21;
	v21 =	vand.u32 $0xFFFF0000, v33;
	v9 =	vpop (erf);
	(erf) = vpow2.f32 v10  }
0x82: {  	v22 =	vand.u32 $0xFFFF0000, v35;
	v18 =	vand.u32 $0xFFFF0000, v23;
	v10 =	vpop (erf);
	(erf) = vpow2.f32 v11  }
0x83: {  	v16 =	vadd.f32 v36, v24;
	v23 =	vand.u32 $0xFFFF0000, v37;
	v11 =	vpop (erf);
	(erf) = vpow2.f32 v12  }
0x84: {  	v15 =	vmul.f32 $1.442695020e+00, v15;
	v20 =	vand.u32 $0xFFFF0000, v25;
	v47 =	vpop (erf);
	(erf) = vpow2.f32 v13  }
0x85: {  	v16 =	vmul.f32 $1.442695020e+00, v16;
	v13 =	vadd.f32 v20, v18;
	v18 =	vpop (erf);
	(erf) = vpow2.f32 v14  }
0x86: {  	v20 =	vadd.f32 $1.000000000e+00, v56;
	v14 =	vadd.f32 v22, v21;
	v21 =	vpop (erf);
	(erf) = vpow2.f32 v15  }
0x87: {  	v22 =	vadd.f32 $1.000000000e+00, v57;
	v15 =	vadd.f32 v45, v23;
	v23 =	vpop (erf);
	(erf) = vpow2.f32 v16  }
0x88: {  	v49 =	vadd.f32 $1.000000000e+00, v59;
	v16 =	vadd.f32 $1.000000000e+00, v58;
	v48 =	vpop (erf);
	(erf) = vrcp.f32 v20  }
0x89: {  	v46 =	vand.u32 $0xFFFF0000, v39;
	v17 =	vadd.f32 $1.000000000e+00, v17;
	v50 =	vpop (erf);
	(erf) = vrcp.f32 v22  }
0x8a: {  	v12 =	vand.u32 $0xFFFF0000, v40;
	v13 =	vmul.f32 $1.442695020e+00, v13;
	v51 =	vpop (erf);
	(erf) = vrcp.f32 v16  }
0x8b: {  	v12 =	vadd.f32 v12, v46;
	v14 =	vmul.f32 $1.442695020e+00, v14;
	v52 =	vpop (erf);
	(erf) = vrcp.f32 v49  }
0x8c: {  	v9 =	vadd.f32 $1.000000000e+00, v9;
	v15 =	vmul.f32 $1.442695020e+00, v15;
	v54 =	vpop (erf);
	(erf) = vpow2.f32 v13  }
0x8d: {  	v56 =	vadd.f32 $1.000000000e+00, v60;
	v12 =	vmul.f32 $1.442695020e+00, v12;
	v55 =	vpop (erf);
	(erf) = vpow2.f32 v14  }
0x8e: {  	v20 =	vand.u32 $0xFFFF0000, v27;
	v22 =	vand.u32 $0xFFFF0000, v28;
	v57 =	vpop (erf);
	(erf) = vpow2.f32 v15  }
0x8f: {  	v16 =	vand.u32 $0xFFFF0000, v29;
	v59 =	vpop (erf);
	(erf) = vpow2.f32 v12;
	v12 =	vadd.f32 v22, v20  }
0x90: {  	v58 =	vadd.f32 $1.000000000e+00, v61;
	v16 =	vadd.f32 v53, v16;
	v15 =	vand.u32 $0xFFFF0000, v34  }
0x91: {  	v20 =	vadd.f32 $1.000000000e+00, v62;
	(erf) = vrcp.f32 v56;
	v22 =	vpop (erf);
	v12 =	vmul.f32 $1.442695020e+00, v12  }
0x92: {  	v13 =	vand.u32 $0xFFFF0000, v31;
	v14 =	vand.u32 $0xFFFF0000, v32;
	v60 =	vpop (erf);
	(erf) = vrcp.f32 v58  }
0x93: {  	v10 =	vadd.f32 $1.000000000e+00, v10;
	v13 =	vadd.f32 v14, v13;
	v61 =	vpop (erf);
	(erf) = vrcp.f32 v20  }
0x94: {  	v16 =	vmul.f32 $1.442695020e+00, v16;
	v14 =	vadd.f32 v26, v15;
	v15 =	vpop (erf);
	(erf) = vrcp.f32 v17  }
0x95: {  	v13 =	vmul.f32 $1.442695020e+00, v13;
	v17 =	vadd.f32 $1.000000000e+00, v19;
	(erf) = vpow2.f32 v12;
	v12 =	vpop (erf)  }
0x96: {  	v11 =	vadd.f32 $1.000000000e+00, v11;
	v14 =	vmul.f32 $1.442695020e+00, v14;
	(erf) = vpow2.f32 v16;
	v19 =	vpop (erf)  }
0x97: {  	v63 =	vadd.f32 $1.000000000e+00, v52;
	v37 =	vadd.f32 $1.000000000e+00, v54;
	(erf) = vpow2.f32 v13;
	v20 =	vpop (erf)  }
0x98: {  	v62 =	vadd.f32 $1.000000000e+00, v51;
	v13 =	vadd.f32 $1.000000000e+00, v23;
	(erf) = vpow2.f32 v14;
	v23 =	vpop (erf)  }
0x99: {  	v39 =	vadd.f32 $1.000000000e+00, v57;
	v15 =	vmul.f32 v15, v1;
	(erf) = vrcp.f32 v17;
	v17 =	vpop (erf)  }
0x9a: {  	v16 =	vadd.f32 $1.000000000e+00, v18;
	v18 =	vadd.f32 $1.000000000e+00, v21;
	v38 =	vpop (erf);
	(erf) = vrcp.f32 v9  }
0x9b: {  	v21 =	vadd.f32 $1.000000000e+00, v48;
	v12 =	vmul.f32 v12, v1;
	(erf) = vrcp.f32 v10  }
0x9c: {  	s19 =	simm.s32 $0x186C0;
	v15 =	vadd.f32 v15, v8;
	v14 =	vadd.f32 $1.000000000e+00, v50;
	v40 =	vpop (erf);
	(erf) = vrcp.f32 v11  }
0x9d: {  	[tilespmem:s19+$0x20] =	vst v47;
	v19 =	vadd.f32 $1.000000000e+00, v19;
	v12 =	vadd.f32 v12, v8;
	v42 =	vpop (erf);
	(erf) = vrcp.f32 v16  }
0x9e: {  	v41 =	vmul.f32 v60, v1;
	v23 =	vadd.f32 $1.000000000e+00, v23;
	v9 =	vadd.f32 $1.000000000e+00, v55;
	v16 =	vpop (erf)  }
0x9f: {  	v17 =	vadd.f32 $1.000000000e+00, v17;
	v11 =	vadd.f32 $1.000000000e+00, v22;
	v43 =	vpop (erf);
	(erf) = vrcp.f32 v18  }
0xa0: {  	v22 =	vmul.f32 v61, v1;
	v18 =	vadd.f32 $1.000000000e+00, v20;
	v20 =	vpop (erf);
	(erf) = vrcp.f32 v13  }
0xa1: {  	v46 =	vmul.f32 v40, v2;
	v13 =	vadd.f32 v41, v8;
	v44 =	vpop (erf);
	(erf) = vrcp.f32 v21  }
0xa2: {  	v21 =	vadd.f32 v22, v8;
	v22 =	vmul.f32 v38, v2;
	(erf) = vrcp.f32 v14;
	v14 =	vpop (erf)  }
0xa3: {  	v10 =	vadd.f32 $1.000000000e+00, v59;
	v16 =	vmul.f32 v16, v2;
	v45 =	vpop (erf);
	(erf) = vrcp.f32 v62  }
0xa4: {  	v13 =	vadd.f32 v22, v13;
	v22 =	vmul.f32 v42, v2;
	v47 =	vpop (erf);
	(erf) = vrcp.f32 v63  }
0xa5: {  	v25 =	vadd.f32 $1.000000000e+00, v43;
	v20 =	vadd.f32 $1.000000000e+00, v20;
	v48 =	vpop (erf);
	(erf) = vrcp.f32 v37  }
0xa6: {  	v15 =	vadd.f32 v22, v15;
	v22 =	vmul.f32 v45, v3;
	(erf) = vrcp.f32 v9;
	v9 =	vpop (erf)  }
0xa7: {  	v21 =	vadd.f32 v46, v21;
	v51 =	vmul.f32 v47, v3;
	v49 =	vpop (erf);
	(erf) = vrcp.f32 v39  }
0xa8: {  	v14 =	vadd.f32 $1.000000000e+00, v14;
	v9 =	vmul.f32 v9, v3;
	v50 =	vpop (erf);
	(erf) = vrcp.f32 v10  }
0xa9: {  	v52 =	vpop (erf);
	(erf) = vrcp.f32 v11;
	v11 =	vadd.f32 v16, v12;
	v12 =	vmul.f32 v48, v3  }
0xaa: {  	v13 =	vadd.f32 v22, v13;
	v21 =	vadd.f32 v51, v21;
	(erf) = vrcp.f32 v19  }
0xab: {  	v16 =	vpop (erf);
	(erf) = vrcp.f32 v18;
	v18 =	vmul.f32 v49, v4;
	v12 =	vadd.f32 v12, v15  }
0xac: {  	v19 =	vpop (erf);
	v15 =	vmul.f32 v52, v4;
	v9 =	vadd.f32 v9, v11;
	v11 =	vmul.f32 v16, v4  }
0xad: {  	v10 =	vadd.f32 $1.000000000e+00, v44;
	v22 =	vpop (erf);
	(erf) = vrcp.f32 v23;
	v23 =	vmul.f32 v50, v4  }
0xae: {  	v53 =	vpop (erf);
	(erf) = vrcp.f32 v17;
	v13 =	vadd.f32 v18, v13;
	v18 =	vmul.f32 v19, v5  }
0xaf: {  	v9 =	vadd.f32 v11, v9;
	(erf) = vrcp.f32 v25;
	v17 =	vpop (erf);
	v11 =	vmul.f32 v53, v5  }
0xb0: {  	v12 =	vadd.f32 v15, v12;
	v16 =	vpop (erf);
	(erf) = vrcp.f32 v20;
	v20 =	vmul.f32 v22, v5  }
0xb1: {  	s30 =	simm.s32 $0x138F0;
	v13 =	vadd.f32 v13, v18;
	v15 =	vmul.f32 v17, v5;
	v19 =	vpop (erf);
	(erf) = vrcp.f32 v10  }
0xb2: {  	v10 =	vadd.f32 v23, v21;
	v16 =	vmul.f32 v16, v6;
	v11 =	vadd.f32 v12, v11;
	v23 =	vld [tilespmem:s30+$0x10];
	v21 =	vpop (erf)  }
0xb3: {  	v55 =	vld [tilespmem:s30+$0xFFFFFFE0];
	(erf) = vrcp.f32 v14;
	v12 =	vmul.f32 v19, v6;
	v9 =	vadd.f32 v9, v15;
	v14 =	vpop (erf)  }
0xb4: {  	v10 =	vadd.f32 v10, v20;
	v15 =	vmul.f32 v21, v6;
	v17 =	vpop (erf);
	v14 =	vmul.f32 v14, v6  }
0xb5: {  	v13 =	vadd.f32 v13, v16;
	v18 =	vpop (erf)  }
0xb6: {  	v10 =	vadd.f32 v10, v12;
	v11 =	vadd.f32 v11, v15;
	v19 =	vpop (erf);
	v15 =	vmul.f32 v18, v7  }
0xb7: {  	s21 =	simm.s32 $0x16000;
	v12 =	vmul.f32 v17, v7;
	v17 =	vld [tilespmem:s30+$0x20];
	v9 =	vadd.f32 v9, v14;
	v40 =	vshll.u32 v23, $0x3;
	v16 =	vpop (erf)  }
0xb8: {  	v23 =	vshll.u32 v55, $0x3;
	v14 =	vpop (erf);
	v10 =	vadd.f32 v10, v15;
	v15 =	vmul.f32 v16, v7;
	v16 =	vld [tilespmem:s21+$0x20]  }
0xb9: {  	v12 =	vadd.f32 v13, v12;
	v13 =	vmul.f32 v19, v7;
	v14 =	vmul.f32 v14, v0;
	v18 =	vpop (erf)  }
0xba: {  	v20 =	vld [tilespmem:s21+$0xFFFFFFE0];
	v42 =	vor.u32 $0x1, v23;
	v44 =	vor.u32 $0x1, v40;
	v19 =	vpop (erf)  }
0xbb: {  	v21 =	vld [tilespmem:s30+$0x0];
	v11 =	vadd.f32 v11, v13;
	v12 =	vadd.f32 v12, v14;
	v14 =	vmul.f32 v19, v0  }
0xbc: {  	v45 =	vor.u32 $0x2, v23;
	v53 =	vor.u32 $0x2, v40;
	v18 =	vmul.f32 v18, v0;
	v19 =	vld [tilespmem:s21+$0x0]  }
0xbd: {  	v17 =	vshll.u32 v17, $0x3;
	v11 =	vadd.f32 v11, v14;
	v14 =	vld [tilespmem:s21+$0x10];
	v16 =	vshll.u32 v16, $0x3  }
0xbe: {  	v34 =	vor.u32 $0x3, v23;
	v9 =	vadd.f32 v9, v15;
	v13 =	vpop (erf);
	v22 =	vor.u32 $0x4, v16  }
0xbf: {  	v54 =	vor.u32 $0x1, v17;
	v10 =	vadd.f32 v10, v18;
	v18 =	vmul.f32 v13, v0  }
0xc0: {  	v20 =	vshll.u32 v20, $0x3;
	v37 =	vshll.u32 v21, $0x3;
	v15 =	vld [tilespmem:s21+$0xFFFFFFF0];
	v56 =	vor.u32 $0x6, v16  }
0xc1: {  	v9 =	vadd.f32 v9, v18;
	v18 =	vld [tilespmem:s30+$0xFFFFFFF0];
	v27 =	vshll.u32 v19, $0x3;
	v19 =	vor.u32 $0x5, v16  }
0xc2: {  	v33 =	vor.u32 $0x5, v20;
	v57 =	vld.idx.msk [tilespmem:v17+s3+$0x0], $0xffff;
	v29 =	vshll.u32 v14, $0x3;
	v14 =	vor.u32 $0x2, v17  }
0xc3: {  	v41 =	vor.u32 $0x1, v37;
	v46 =	vor.u32 $0x6, v20;
	v16 =	vor.u32 $0x7, v16;
	v21 =	vld.idx.msk [tilespmem:v22+s3+$0x0], $0xffff  }
0xc4: {  	v50 =	vor.u32 $0x2, v37;
	v13 =	vsub.f32 $0.0e+00, v12;
	v17 =	vor.u32 $0x3, v17;
	v22 =	vld.idx.msk [tilespmem:v54+s3+$0x0], $0xffff  }
0xc5: {  	v35 =	vor.u32 $0x7, v20;
	v12 =	vsub.f32 $0.0e+00, v10;
	v11 =	vsub.f32 $0.0e+00, v11;
	v31 =	vld.idx.msk [tilespmem:v56+s3+$0x0], $0xffff  }
0xc6: {  	v15 =	vshll.u32 v15, $0x3;
	v13 =	vmul.f32 $1.442695020e+00, v13;
	v10 =	vsub.f32 $0.0e+00, v9;
	v19 =	vld.idx.msk [tilespmem:v19+s3+$0x0], $0xffff  }
0xc7: {  	v9 =	vor.u32 $0x4, v20;
	v26 =	vor.u32 $0x4, v15;
	v25 =	vor.u32 $0x5, v15;
	v58 =	vld.idx.msk [tilespmem:v14+s3+$0x0], $0xffff  }
0xc8: {  	v49 =	vor.u32 $0x6, v15;
	v38 =	vor.u32 $0x7, v15;
	v12 =	vmul.f32 $1.442695020e+00, v12;
	v60 =	vld.idx.msk [tilespmem:v16+s3+$0x0], $0xffff  }
0xc9: {  	v18 =	vshll.u32 v18, $0x3;
	v17 =	vld.idx.msk [tilespmem:v17+s3+$0x0], $0xffff;
	v14 =	vshll.u32 v57, $0x10;
	v59 =	vshll.u32 v21, $0x10  }
0xca: {  	v28 =	vor.u32 $0x4, v27;
	v39 =	vor.u32 $0x1, v18;
	v14 =	vadd.f32 v59, v14  }
0xcb: {  	v16 =	vshll.u32 v22, $0x10;
	v62 =	vshll.u32 v31, $0x10;
	v61 =	vshll.u32 v19, $0x10  }
0xcc: {  	v16 =	vadd.f32 v61, v16;
	v14 =	vmul.f32 $1.442695020e+00, v14;
	v20 =	vshll.u32 v58, $0x10  }
0xcd: {  	v48 =	vor.u32 $0x2, v18;
	v15 =	vshll.u32 v60, $0x10;
	v20 =	vadd.f32 v62, v20  }
0xce: {  	v16 =	vmul.f32 $1.442695020e+00, v16;
	(erf) = vpow2.f32 v14;
	v14 =	vshll.u32 v17, $0x10  }
0xcf: {  	v21 =	vand.u32 $0xFFFF0000, v21;
	v56 =	vand.u32 $0xFFFF0000, v31;
	v63 =	vadd.f32 v15, v14  }
0xd0: {  	v20 =	vmul.f32 $1.442695020e+00, v20;
	(erf) = vpow2.f32 v16;
	v16 =	vand.u32 $0xFFFF0000, v57  }
0xd1: {  	v24 =	vand.u32 $0xFFFF0000, v58;
	v21 =	vadd.f32 v21, v16;
	v55 =	vmul.f32 $1.442695020e+00, v63  }
0xd2: {  	(erf) = vpow2.f32 v20;
	v20 =	vand.u32 $0xFFFF0000, v22;
	v22 =	vand.u32 $0xFFFF0000, v19;
	v19 =	vld.idx.msk [tilespmem:v23+s3+$0x0], $0xffff  }
0xd3: {  	v36 =	vor.u32 $0x3, v18;
	v23 =	vadd.f32 v22, v20;
	v20 =	vld.idx.msk [tilespmem:v18+s3+$0x0], $0xffff;
	v18 =	vadd.f32 v56, v24  }
0xd4: {  	v43 =	vor.u32 $0x5, v27;
	v11 =	vmul.f32 $1.442695020e+00, v11;
	(erf) = vpow2.f32 v55  }
0xd5: {  	v51 =	vor.u32 $0x6, v27;
	v21 =	vmul.f32 $1.442695020e+00, v21;
	v23 =	vmul.f32 $1.442695020e+00, v23  }
0xd6: {  	v30 =	vor.u32 $0x4, v29;
	v9 =	vld.idx.msk [tilespmem:v9+s3+$0x0], $0xffff;
	v17 =	vand.u32 $0xFFFF0000, v17;
	v57 =	vand.u32 $0xFFFF0000, v60  }
0xd7: {  	(erf) = vpow2.f32 v21;
	v21 =	vadd.f32 v57, v17;
	v58 =	vmul.f32 $1.442695020e+00, v18;
	v18 =	vpop (erf)  }
0xd8: {  	v10 =	vmul.f32 $1.442695020e+00, v10;
	v14 =	vld.idx.msk [tilespmem:v26+s3+$0x0], $0xffff;
	(erf) = vpow2.f32 v23;
	v59 =	vadd.f32 $1.000000000e+00, v18  }
0xd9: {  	v47 =	vor.u32 $0x5, v29;
	v15 =	vld.idx.msk [tilespmem:v28+s3+$0x0], $0xffff;
	v60 =	vmul.f32 $1.442695020e+00, v21;
	v23 =	vpop (erf);
	(erf) = vpow2.f32 v58  }
0xda: {  	v54 =	vor.u32 $0x6, v29;
	v26 =	vld.idx.msk [tilespmem:v43+s3+$0x0], $0xffff;
	v43 =	vor.u32 $0x3, v37;
	(erf) = vrcp.f32 v59  }
0xdb: {  	v16 =	vld.idx.msk [tilespmem:v30+s3+$0x0], $0xffff;
	v30 =	vshll.u32 v9, $0x10;
	v61 =	vadd.f32 $1.000000000e+00, v23;
	(erf) = vpow2.f32 v60  }
0xdc: {  	v9 =	vand.u32 $0xFFFF0000, v9;
	v22 =	vld.idx.msk [tilespmem:v37+s3+$0x0], $0xffff;
	v55 =	vor.u32 $0x7, v27;
	v56 =	vor.u32 $0x3, v40;
	v62 =	vpop (erf)  }
0xdd: {  	v27 =	vld.idx.msk [tilespmem:v44+s3+$0x0], $0xffff;
	v44 =	vor.u32 $0x7, v29;
	v63 =	vadd.f32 $1.000000000e+00, v62;
	(erf) = vrcp.f32 v61;
	v60 =	vpop (erf)  }
0xde: {  	v24 =	vld.idx.msk [tilespmem:v40+s3+$0x0], $0xffff;
	v28 =	vshll.u32 v14, $0x10;
	v31 =	vshll.u32 v15, $0x10;
	v61 =	vadd.f32 $1.000000000e+00, v60  }
0xdf: {  	v14 =	vand.u32 $0xFFFF0000, v14;
	v15 =	vand.u32 $0xFFFF0000, v15;
	v17 =	vld.idx.msk [tilespmem:v42+s3+$0x0], $0xffff;
	(erf) = vrcp.f32 v63  }
0xe0: {  	v21 =	vld.idx.msk [tilespmem:v39+s3+$0x0], $0xffff;
	v39 =	vshll.u32 v19, $0x10;
	v19 =	vand.u32 $0xFFFF0000, v19;
	v62 =	vpop (erf);
	(erf) = vrcp.f32 v61  }
0xe1: {  	v18 =	vld.idx.msk [tilespmem:v33+s3+$0x0], $0xffff;
	v33 =	vshll.u32 v16, $0x10;
	v52 =	vshll.u32 v22, $0x10;
	v63 =	vadd.f32 $1.000000000e+00, v62;
	v59 =	vpop (erf)  }
0xe2: {  	v32 =	vshll.u32 v20, $0x10;
	v37 =	vadd.f32 v30, v39;
	v42 =	vadd.f32 v31, v52;
	v23 =	vld.idx.msk [tilespmem:v25+s3+$0x0], $0xffff;
	v61 =	vpop (erf)  }
0xe3: {  	v25 =	vld.idx.msk [tilespmem:v41+s3+$0x0], $0xffff;
	v41 =	vshll.u32 v24, $0x10;
	v60 =	vadd.f32 $1.000000000e+00, v59;
	(erf) = vrcp.f32 v63;
	v62 =	vpop (erf)  }
0xe4: {  	v20 =	vand.u32 $0xFFFF0000, v20;
	v31 =	vld.idx.msk [tilespmem:v48+s3+$0x0], $0xffff;
	v57 =	vadd.f32 v33, v41;
	v48 =	vadd.f32 $1.000000000e+00, v61;
	v33 =	vpop (erf)  }
0xe5: {  	(erf) = vrcp.f32 v60;
	v41 =	vmul.f32 v62, v1;
	v61 =	vadd.f32 $1.000000000e+00, v33  }
0xe6: {  	v22 =	vand.u32 $0xFFFF0000, v22;
	v9 =	vadd.f32 v9, v19;
	v40 =	vadd.f32 v28, v32;
	v63 =	vpop (erf)  }
0xe7: {  	v30 =	vld.idx.msk [tilespmem:v47+s3+$0x0], $0xffff;
	(erf) = vrcp.f32 v48;
	v41 =	vadd.f32 v41, v8;
	v62 =	vmul.f32 v63, v2  }
0xe8: {  	v58 =	vshll.u32 v26, $0x10;
	v32 =	vld.idx.msk [tilespmem:v49+s3+$0x0], $0xffff;
	v49 =	vmul.f32 $1.442695020e+00, v37;
	v48 =	vmul.f32 $1.442695020e+00, v40;
	v63 =	vpop (erf)  }
0xe9: {  	v33 =	vld.idx.msk [tilespmem:v50+s3+$0x0], $0xffff;
	(erf) = vrcp.f32 v61;
	v50 =	vadd.f32 v62, v41;
	v40 =	vmul.f32 v63, v3;
	v61 =	vpop (erf)  }
0xea: {  	v29 =	vld.idx.msk [tilespmem:v46+s3+$0x0], $0xffff;
	v39 =	vshll.u32 v17, $0x10;
	v42 =	vmul.f32 $1.442695020e+00, v42;
	v62 =	vmul.f32 v61, v4  }
0xeb: {  	v28 =	vld.idx.msk [tilespmem:v45+s3+$0x0], $0xffff;
	v52 =	vshll.u32 v21, $0x10;
	v47 =	vshll.u32 v18, $0x10;
	v40 =	vadd.f32 v40, v50  }
0xec: {  	v37 =	vld.idx.msk [tilespmem:v51+s3+$0x0], $0xffff;
	v51 =	vmul.f32 $1.442695020e+00, v57;
	v47 =	vadd.f32 v47, v39;
	v59 =	vshll.u32 v27, $0x10;
	v63 =	vpop (erf)  }
0xed: {  	v60 =	vshll.u32 v30, $0x10;
	v50 =	vmul.f32 v63, v5;
	v40 =	vadd.f32 v62, v40  }
0xee: {  	v39 =	vld.idx.msk [tilespmem:v53+s3+$0x0], $0xffff;
	v57 =	vshll.u32 v31, $0x10;
	v45 =	vshll.u32 v23, $0x10;
	v53 =	vadd.f32 v60, v59;
	v62 =	vpop (erf)  }
0xef: {  	v59 =	vshll.u32 v32, $0x10;
	v50 =	vadd.f32 v40, v50;
	v62 =	vmul.f32 v62, v6  }
0xf0: {  	v45 =	vadd.f32 v45, v52;
	v52 =	vshll.u32 v28, $0x10;
	(erf) = vpow2.f32 v49;
	v49 =	vpop (erf)  }
0xf1: {  	v41 =	vld.idx.msk [tilespmem:v54+s3+$0x0], $0xffff;
	v54 =	vshll.u32 v29, $0x10;
	v49 =	vmul.f32 v49, v7;
	v50 =	vadd.f32 v50, v62  }
0xf2: {  	(erf) = vpow2.f32 v48;
	v40 =	vld.idx.msk [tilespmem:v43+s3+$0x0], $0xffff;
	v43 =	vadd.f32 v54, v52;
	v54 =	vadd.f32 v59, v57;
	v59 =	vpop (erf)  }
0xf3: {  	(erf) = vpow2.f32 v42;
	v42 =	vmul.f32 v59, v0;
	v49 =	vadd.f32 v50, v49  }
0xf4: {  	v36 =	vld.idx.msk [tilespmem:v36+s3+$0x0], $0xffff;
	v14 =	vadd.f32 v14, v20;
	v15 =	vadd.f32 v15, v22;
	v46 =	vshll.u32 v25, $0x10  }
0xf5: {  	v16 =	vand.u32 $0xFFFF0000, v16;
	v46 =	vadd.f32 v58, v46;
	v42 =	vadd.f32 v49, v42  }
0xf6: {  	v38 =	vld.idx.msk [tilespmem:v38+s3+$0x0], $0xffff;
	v26 =	vand.u32 $0xFFFF0000, v26;
	v47 =	vmul.f32 $1.442695020e+00, v47;
	v45 =	vmul.f32 $1.442695020e+00, v45  }
0xf7: {  	v46 =	vmul.f32 $1.442695020e+00, v46;
	v48 =	vld.idx.msk [tilespmem:v56+s3+$0x0], $0xffff;
	(erf) = vpow2.f32 v51;
	v42 =	vsub.f32 $0.0e+00, v42  }
0xf8: {  	v44 =	vld.idx.msk [tilespmem:v44+s3+$0x0], $0xffff;
	v60 =	vshll.u32 v37, $0x10;
	v51 =	vmul.f32 $1.442695020e+00, v53;
	(erf) = vpow2.f32 v47  }
0xf9: {  	v56 =	vshll.u32 v36, $0x10;
	(erf) = vpow2.f32 v45;
	v42 =	vmul.f32 $1.442695020e+00, v42  }
0xfa: {  	v61 =	vshll.u32 v39, $0x10;
	v63 =	vshll.u32 v41, $0x10;
	(erf) = vpow2.f32 v46  }
0xfb: {  	v58 =	vshll.u32 v33, $0x10;
	v52 =	vld.idx.msk [tilespmem:v55+s3+$0x0], $0xffff;
	v55 =	vadd.f32 v63, v61;
	(erf) = vpow2.f32 v42  }
0xfc: {  	v57 =	vshll.u32 v38, $0x10;
	v50 =	vadd.f32 v60, v58;
	v60 =	vshll.u32 v48, $0x10  }
0xfd: {  	v34 =	vld.idx.msk [tilespmem:v34+s3+$0x0], $0xffff;
	v61 =	vshll.u32 v44, $0x10;
	v43 =	vmul.f32 $1.442695020e+00, v43;
	(erf) = vpow2.f32 v51;
	v51 =	vpop (erf)  }
0xfe: {  	v35 =	vld.idx.msk [tilespmem:v35+s3+$0x0], $0xffff;
	v24 =	vand.u32 $0xFFFF0000, v24;
	v45 =	vadd.f32 v57, v56;
	v46 =	vmul.f32 $1.442695020e+00, v54;
	v54 =	vpop (erf)  }
0xff: {  	v9 =	vmul.f32 $1.442695020e+00, v9;
	v62 =	vadd.f32 v61, v60;
	v42 =	vmul.f32 $1.442695020e+00, v50;
	v60 =	vpop (erf)  }
0x100: {  	v17 =	vand.u32 $0xFFFF0000, v17;
	v14 =	vmul.f32 $1.442695020e+00, v14;
	v63 =	vmul.f32 $1.442695020e+00, v55;
	v61 =	vpop (erf)  }
0x101: {  	v16 =	vadd.f32 v16, v24;
	v15 =	vmul.f32 $1.442695020e+00, v15;
	(erf) = vpow2.f32 v43;
	v43 =	vpop (erf)  }
0x102: {  	v21 =	vand.u32 $0xFFFF0000, v21;
	v20 =	vmul.f32 $1.442695020e+00, v45;
	(erf) = vpow2.f32 v46;
	v45 =	vpop (erf)  }
0x103: {  	v53 =	vshll.u32 v34, $0x10;
	v49 =	vshll.u32 v35, $0x10;
	(erf) = vpow2.f32 v42;
	v42 =	vpop (erf)  }
0x104: {  	v18 =	vand.u32 $0xFFFF0000, v18;
	v47 =	vadd.f32 v49, v53;
	(erf) = vpow2.f32 v63;
	v63 =	vpop (erf)  }
0x105: {  	v58 =	vshll.u32 v40, $0x10;
	v59 =	vshll.u32 v52, $0x10;
	v46 =	vadd.f32 $1.000000000e+00, v63  }
0x106: {  	v16 =	vmul.f32 $1.442695020e+00, v16;
	v49 =	vadd.f32 v59, v58;
	v19 =	vmul.f32 $1.442695020e+00, v47  }
0x107: {  	v17 =	vadd.f32 v18, v17;
	v23 =	vand.u32 $0xFFFF0000, v23;
	(erf) = vrcp.f32 v46  }
0x108: {  	v25 =	vand.u32 $0xFFFF0000, v25;
	v22 =	vmul.f32 $1.442695020e+00, v49;
	(erf) = vpow2.f32 v19  }
0x109: {  	v18 =	vadd.f32 v23, v21;
	v21 =	vand.u32 $0xFFFF0000, v28;
	(erf) = vpow2.f32 v20  }
0x10a: {  	v62 =	vmul.f32 $1.442695020e+00, v62;
	(erf) = vpow2.f32 v22;
	v22 =	vand.u32 $0xFFFF0000, v29  }
0x10b: {  	v23 =	vand.u32 $0xFFFF0000, v31;
	v17 =	vmul.f32 $1.442695020e+00, v17;
	v27 =	vand.u32 $0xFFFF0000, v27  }
0x10c: {  	v18 =	vmul.f32 $1.442695020e+00, v18;
	v32 =	vand.u32 $0xFFFF0000, v32;
	(erf) = vpow2.f32 v62  }
0x10d: {  	v23 =	vadd.f32 v32, v23;
	v21 =	vadd.f32 v22, v21;
	(erf) = vpow2.f32 v9;
	v22 =	vpop (erf)  }
0x10e: {  	v30 =	vand.u32 $0xFFFF0000, v30;
	v37 =	vand.u32 $0xFFFF0000, v37;
	(erf) = vpow2.f32 v14;
	v14 =	vpop (erf)  }
0x10f: {  	v23 =	vmul.f32 $1.442695020e+00, v23;
	v19 =	vadd.f32 v26, v25;
	(erf) = vpow2.f32 v15;
	v15 =	vpop (erf)  }
0x110: {  	v33 =	vand.u32 $0xFFFF0000, v33;
	v20 =	vadd.f32 v30, v27;
	(erf) = vpow2.f32 v16;
	v16 =	vpop (erf)  }
0x111: {  	v39 =	vand.u32 $0xFFFF0000, v39;
	v47 =	vadd.f32 v37, v33;
	v19 =	vmul.f32 $1.442695020e+00, v19;
	v29 =	vpop (erf)  }
0x112: {  	v59 =	vand.u32 $0xFFFF0000, v36;
	v20 =	vmul.f32 $1.442695020e+00, v20;
	(erf) = vpow2.f32 v17;
	v9 =	vpop (erf)  }
0x113: {  	v24 =	vmul.f32 $1.442695020e+00, v47;
	v50 =	vand.u32 $0xFFFF0000, v34;
	(erf) = vpow2.f32 v18;
	v17 =	vpop (erf)  }
0x114: {  	v51 =	vadd.f32 $1.000000000e+00, v51;
	v46 =	vand.u32 $0xFFFF0000, v41;
	(erf) = vpow2.f32 v19;
	v18 =	vpop (erf)  }
0x115: {  	v53 =	vadd.f32 $1.000000000e+00, v54;
	v49 =	vadd.f32 v46, v39;
	(erf) = vpow2.f32 v20;
	v19 =	vpop (erf)  }
0x116: {  	v57 =	vadd.f32 $1.000000000e+00, v60;
	v58 =	vadd.f32 $1.000000000e+00, v61;
	(erf) = vrcp.f32 v51;
	v20 =	vpop (erf)  }
0x117: {  	v61 =	vand.u32 $0xFFFF0000, v40;
	v40 =	vand.u32 $0xFFFF0000, v44;
	v44 =	vpop (erf);
	(erf) = vrcp.f32 v53  }
0x118: {  	v54 =	vand.u32 $0xFFFF0000, v35;
	v21 =	vmul.f32 $1.442695020e+00, v21;
	v47 =	vpop (erf);
	(erf) = vrcp.f32 v57  }
0x119: {  	v60 =	vand.u32 $0xFFFF0000, v38;
	v25 =	vmul.f32 $1.442695020e+00, v49;
	v49 =	vpop (erf);
	(erf) = vrcp.f32 v58  }
0x11a: {  	v63 =	vand.u32 $0xFFFF0000, v48;
	v62 =	vand.u32 $0xFFFF0000, v52;
	v52 =	vpop (erf);
	(erf) = vpow2.f32 v21  }
0x11b: {  	v48 =	vadd.f32 v40, v63;
	v26 =	vadd.f32 v54, v50;
	v54 =	vpop (erf);
	(erf) = vpow2.f32 v23  }
0x11c: {  	v41 =	vadd.f32 v60, v59;
	v50 =	vadd.f32 $1.000000000e+00, v43;
	v55 =	vpop (erf);
	(erf) = vpow2.f32 v24  }
0x11d: {  	v46 =	vadd.f32 v62, v61;
	v51 =	vadd.f32 $1.000000000e+00, v45;
	v57 =	vpop (erf);
	(erf) = vpow2.f32 v25  }
0x11e: {  	v53 =	vadd.f32 $1.000000000e+00, v42;
	v21 =	vmul.f32 $1.442695020e+00, v26;
	(erf) = vrcp.f32 v50;
	v60 =	vpop (erf)  }
0x11f: {  	v59 =	vmul.f32 $1.442695020e+00, v48;
	v22 =	vadd.f32 $1.000000000e+00, v22;
	v61 =	vpop (erf);
	(erf) = vrcp.f32 v51  }
0x120: {  	s20 =	simm.s32 $0x16050;
	v56 =	vmul.f32 $1.442695020e+00, v46;
	[tilespmem:$0x1FFD0] =	vst v9;
	v62 =	vpop (erf);
	(erf) = vrcp.f32 v53  }
0x121: {  	v14 =	vadd.f32 $1.000000000e+00, v14;
	v37 =	vld [tilespmem:s20+$0x20];
	v23 =	vmul.f32 $1.442695020e+00, v41;
	v63 =	vpop (erf);
	(erf) = vrcp.f32 v22  }
0x122: {  	v15 =	vadd.f32 $1.000000000e+00, v15;
	v16 =	vadd.f32 $1.000000000e+00, v16;
	(erf) = vpow2.f32 v21;
	v21 =	vpop (erf)  }
0x123: {  	v17 =	vadd.f32 $1.000000000e+00, v17;
	v18 =	vadd.f32 $1.000000000e+00, v18;
	v41 =	vpop (erf);
	(erf) = vpow2.f32 v23  }
0x124: {  	v19 =	vadd.f32 $1.000000000e+00, v19;
	v20 =	vadd.f32 $1.000000000e+00, v20;
	v43 =	vpop (erf);
	(erf) = vpow2.f32 v56  }
0x125: {  	v27 =	vadd.f32 $1.000000000e+00, v44;
	v58 =	vadd.f32 $1.000000000e+00, v29;
	v46 =	vpop (erf);
	(erf) = vpow2.f32 v59  }
0x126: {  	v28 =	vadd.f32 $1.000000000e+00, v47;
	v38 =	vshll.u32 v37, $0x3;
	(erf) = vrcp.f32 v14;
	v14 =	vpop (erf)  }
0x127: {  	v39 =	vor.u32 $0x4, v38;
	v22 =	vadd.f32 $1.000000000e+00, v49;
	v49 =	vpop (erf);
	(erf) = vrcp.f32 v15  }
0x128: {  	v40 =	vadd.f32 $1.000000000e+00, v52;
	v26 =	vadd.f32 $1.000000000e+00, v54;
	v51 =	vpop (erf);
	(erf) = vrcp.f32 v16  }
0x129: {  	v30 =	vadd.f32 $1.000000000e+00, v55;
	v42 =	vmul.f32 v61, v1;
	v52 =	vpop (erf);
	(erf) = vrcp.f32 v58  }
0x12a: {  	v44 =	vadd.f32 $1.000000000e+00, v60;
	v48 =	vmul.f32 v63, v1;
	(erf) = vrcp.f32 v17;
	v17 =	vpop (erf)  }
0x12b: {  	v45 =	vmul.f32 v62, v1;
	v23 =	vadd.f32 $1.000000000e+00, v57;
	v47 =	vadd.f32 $1.000000000e+00, v41;
	v55 =	vpop (erf)  }
0x12c: {  	v21 =	vmul.f32 v21, v1;
	v53 =	vadd.f32 v48, v8;
	v35 =	vadd.f32 $1.000000000e+00, v43;
	v56 =	vpop (erf)  }
0x12d: {  	v15 =	vadd.f32 v42, v8;
	v54 =	vmul.f32 v49, v2;
	(erf) = vrcp.f32 v18;
	v57 =	vpop (erf)  }
0x12e: {  	v21 =	vadd.f32 v21, v8;
	v17 =	vmul.f32 v17, v2;
	(erf) = vrcp.f32 v19;
	v58 =	vpop (erf)  }
0x12f: {  	v50 =	vadd.f32 $1.000000000e+00, v46;
	v36 =	vmul.f32 v51, v2;
	v15 =	vadd.f32 v54, v15;
	v60 =	vpop (erf)  }
0x130: {  	(erf) = vrcp.f32 v20;
	v17 =	vadd.f32 v17, v21;
	v21 =	vmul.f32 v60, v3;
	v61 =	vpop (erf)  }
0x131: {  	v16 =	vadd.f32 v45, v8;
	v18 =	vmul.f32 v52, v2;
	(erf) = vrcp.f32 v27;
	v63 =	vpop (erf)  }
0x132: {  	(erf) = vrcp.f32 v28;
	v15 =	vadd.f32 v21, v15;
	v21 =	vmul.f32 v63, v3  }
0x133: {  	v14 =	vadd.f32 $1.000000000e+00, v14;
	v42 =	vor.u32 $0x5, v38;
	(erf) = vrcp.f32 v22  }
0x134: {  	v16 =	vadd.f32 v36, v16;
	v18 =	vadd.f32 v18, v53;
	(erf) = vrcp.f32 v40;
	v28 =	vpop (erf)  }
0x135: {  	v19 =	vadd.f32 $1.000000000e+00, v55;
	v20 =	vadd.f32 $1.000000000e+00, v56;
	(erf) = vrcp.f32 v26;
	v31 =	vpop (erf)  }
0x136: {  	v62 =	vmul.f32 v61, v3;
	(erf) = vrcp.f32 v30;
	v18 =	vadd.f32 v21, v18;
	v21 =	vpop (erf)  }
0x137: {  	v59 =	vadd.f32 $1.000000000e+00, v57;
	v26 =	vmul.f32 v28, v3;
	(erf) = vrcp.f32 v23;
	v23 =	vpop (erf)  }
0x138: {  	v16 =	vadd.f32 v62, v16;
	v21 =	vmul.f32 v21, v4;
	v23 =	vmul.f32 v23, v4  }
0x139: {  	v22 =	vadd.f32 $1.000000000e+00, v58;
	v27 =	vmul.f32 v31, v4;
	v17 =	vadd.f32 v26, v17;
	v32 =	vpop (erf)  }
0x13a: {  	s31 =	simm.s32 $0x13940;
	(erf) = vrcp.f32 v44;
	v16 =	vadd.f32 v21, v16;
	v21 =	vmul.f32 v32, v4  }
0x13b: {  	v36 =	vld [tilespmem:s31+$0x20];
	v15 =	vadd.f32 v27, v15;
	(erf) = vrcp.f32 v47;
	v47 =	vor.u32 $0x6, v38;
	v34 =	vpop (erf)  }
0x13c: {  	(erf) = vrcp.f32 v35;
	v24 =	vmul.f32 v34, v5;
	v18 =	vadd.f32 v23, v18;
	v23 =	vpop (erf)  }
0x13d: {  	v25 =	vld.idx.msk [tilespmem:v39+s3+$0x0], $0xffff;
	v17 =	vadd.f32 v21, v17;
	(erf) = vrcp.f32 v50;
	v23 =	vmul.f32 v23, v5  }
0x13e: {  	v41 =	vld [tilespmem:s20+$0x10];
	v21 =	vpop (erf);
	(erf) = vrcp.f32 v14;
	v14 =	vadd.f32 v15, v24;
	v24 =	vor.u32 $0x7, v38  }
0x13f: {  	v54 =	vld [tilespmem:s31+$0xFFFFFFE0];
	v15 =	vmul.f32 v21, v5;
	(erf) = vrcp.f32 v19;
	v19 =	vpop (erf);
	v16 =	vadd.f32 v16, v23  }
0x140: {  	v44 =	vld [tilespmem:s31+$0xFFFFFFF0];
	v19 =	vmul.f32 v19, v5;
	v21 =	vpop (erf);
	(erf) = vrcp.f32 v20;
	v23 =	vshll.u32 v36, $0x3  }
0x141: {  	v20 =	vmul.f32 v21, v6;
	v15 =	vadd.f32 v18, v15;
	v18 =	vpop (erf);
	(erf) = vrcp.f32 v59;
	v21 =	vld [tilespmem:s20+$0xFFFFFFE0]  }
0x142: {  	v26 =	vor.u32 $0x1, v23;
	v18 =	vmul.f32 v18, v6;
	(erf) = vrcp.f32 v22;
	v22 =	vld [tilespmem:s20+$0xFFFFFFF0]  }
0x143: {  	v45 =	vor.u32 $0x2, v23;
	v17 =	vadd.f32 v17, v19;
	v14 =	vadd.f32 v14, v20;
	v20 =	vld [tilespmem:s20+$0x0]  }
0x144: {  	(erf) = vpow2.f32 v13;
	v62 =	vld.idx.msk [tilespmem:v24+s3+$0x0], $0xffff;
	v24 =	vshll.u32 v41, $0x3;
	v18 =	vadd.f32 v16, v18  }
0x145: {  	v19 =	vpop (erf);
	(erf) = vpow2.f32 v12;
	v12 =	vld.idx.msk [tilespmem:v42+s3+$0x0], $0xffff;
	v42 =	vshll.u32 v44, $0x3;
	v58 =	vor.u32 $0x4, v24  }
0x146: {  	v19 =	vmul.f32 v19, v6;
	v40 =	vpop (erf);
	v46 =	vld.idx.msk [tilespmem:v23+s3+$0x0], $0xffff;
	v23 =	vor.u32 $0x3, v23;
	(erf) = vpow2.f32 v11  }
0x147: {  	v39 =	vor.u32 $0x1, v42;
	v16 =	vmul.f32 v40, v6;
	v43 =	vpop (erf);
	v13 =	vld.idx.msk [tilespmem:v26+s3+$0x0], $0xffff;
	(erf) = vpow2.f32 v10  }
0x148: {  	v30 =	vshll.u32 v21, $0x3;
	v10 =	vld.idx.msk [tilespmem:v47+s3+$0x0], $0xffff;
	v47 =	vshll.u32 v54, $0x3;
	v19 =	vadd.f32 v15, v19;
	v15 =	vpop (erf)  }
0x149: {  	v27 =	vmul.f32 v43, v7;
	v26 =	vshll.u32 v22, $0x3;
	v15 =	vmul.f32 v15, v7;
	v48 =	vpop (erf)  }
0x14a: {  	v11 =	vld.idx.msk [tilespmem:v45+s3+$0x0], $0xffff;
	v50 =	vor.u32 $0x4, v30;
	v16 =	vadd.f32 v17, v16;
	v49 =	vmul.f32 v48, v7  }
0x14b: {  	v29 =	vshll.u32 v20, $0x3;
	v17 =	vadd.f32 v14, v27;
	v15 =	vadd.f32 v18, v15  }
0x14c: {  	v18 =	vshll.u32 v46, $0x10;
	v14 =	vadd.f32 v19, v49;
	v19 =	vshll.u32 v25, $0x10  }
0x14d: {  	v20 =	vshll.u32 v12, $0x10;
	v23 =	vld.idx.msk [tilespmem:v23+s3+$0x0], $0xffff;
	v18 =	vadd.f32 v19, v18;
	v19 =	vshll.u32 v13, $0x10  }
0x14e: {  	v37 =	vor.u32 $0x5, v30;
	v44 =	vor.u32 $0x2, v47;
	v19 =	vadd.f32 v20, v19  }
0x14f: {  	v61 =	vor.u32 $0x4, v26;
	v52 =	vshll.u32 v62, $0x10;
	v21 =	vshll.u32 v11, $0x10  }
0x150: {  	v22 =	vshll.u32 v10, $0x10;
	v18 =	vmul.f32 $1.442695020e+00, v18;
	v19 =	vmul.f32 $1.442695020e+00, v19  }
0x151: {  	v34 =	vand.u32 $0xFFFF0000, v62;
	v38 =	vor.u32 $0x5, v26;
	v63 =	vor.u32 $0x4, v29;
	v20 =	vpop (erf)  }
0x152: {  	v51 =	vadd.f32 v22, v21;
	v21 =	vpop (erf);
	(erf) = vpow2.f32 v18;
	v18 =	vshll.u32 v23, $0x10  }
0x153: {  	v55 =	vand.u32 $0xFFFF0000, v12;
	v41 =	vor.u32 $0x5, v29;
	v32 =	vand.u32 $0xFFFF0000, v46;
	v22 =	vpop (erf)  }
0x154: {  	v46 =	vor.u32 $0x6, v30;
	v30 =	vor.u32 $0x7, v30;
	(erf) = vpow2.f32 v19;
	v19 =	vpop (erf)  }
0x155: {  	v25 =	vand.u32 $0xFFFF0000, v25;
	v13 =	vand.u32 $0xFFFF0000, v13;
	v31 =	vadd.f32 v52, v18;
	v18 =	vpop (erf)  }
0x156: {  	v53 =	vand.u32 $0xFFFF0000, v11;
	v25 =	vadd.f32 v25, v32;
	v28 =	vmul.f32 $1.442695020e+00, v51;
	v9 =	vpop (erf)  }
0x157: {  	v10 =	vand.u32 $0xFFFF0000, v10;
	v49 =	vor.u32 $0x5, v24;
	v31 =	vmul.f32 $1.442695020e+00, v31;
	v12 =	vpop (erf)  }
0x158: {  	v25 =	vmul.f32 $1.442695020e+00, v25;
	(erf) = vpow2.f32 v28;
	v28 =	vadd.f32 v55, v13;
	[tilespmem:$0x1FFC0] =	vst v9;
	v13 =	vpop (erf)  }
0x159: {  	v36 =	vadd.f32 v10, v53;
	v53 =	vor.u32 $0x6, v26;
	(erf) = vpow2.f32 v31;
	v56 =	vld [tilespmem:s31+$0x0];
	v9 =	vpop (erf)  }
0x15a: {  	v23 =	vand.u32 $0xFFFF0000, v23;
	v28 =	vmul.f32 $1.442695020e+00, v28;
	(erf) = vpow2.f32 v25;
	v57 =	vld [tilespmem:s31+$0x10];
	[tilespmem:$0x1FFE0] =	vst v9  }
0x15b: {  	v59 =	vmul.f32 $1.442695020e+00, v36;
	v20 =	vmul.f32 v20, v7;
	v23 =	vadd.f32 v34, v23;
	v27 =	vld.idx.msk [tilespmem:v50+s3+$0x0], $0xffff  }
0x15c: {  	v26 =	vor.u32 $0x7, v26;
	v21 =	vmul.f32 v21, v0;
	(erf) = vpow2.f32 v28;
	v28 =	vld.idx.msk [tilespmem:v61+s3+$0x0], $0xffff  }
0x15d: {  	v51 =	vor.u32 $0x2, v42;
	v22 =	vmul.f32 v22, v0;
	v20 =	vadd.f32 v16, v20;
	v60 =	vpop (erf);
	v25 =	vld.idx.msk [tilespmem:v63+s3+$0x0], $0xffff  }
0x15e: {  	v16 =	vadd.f32 v17, v21;
	v34 =	vadd.f32 $1.000000000e+00, v60;
	v63 =	vor.u32 $0x1, v47;
	v35 =	vld.idx.msk [tilespmem:v47+s3+$0x0], $0xffff  }
0x15f: {  	(erf) = vpow2.f32 v59;
	v61 =	vmul.f32 $1.442695020e+00, v23;
	v23 =	vpop (erf);
	v36 =	vld.idx.msk [tilespmem:v42+s3+$0x0], $0xffff;
	v48 =	vshll.u32 v56, $0x3  }
0x160: {  	v62 =	vadd.f32 $1.000000000e+00, v23;
	v23 =	vld.idx.msk [tilespmem:v58+s3+$0x0], $0xffff;
	v50 =	vshll.u32 v57, $0x3;
	(erf) = vrcp.f32 v34  }
0x161: {  	v19 =	vmul.f32 v19, v0;
	v56 =	vpop (erf);
	v34 =	vld.idx.msk [tilespmem:v37+s3+$0x0], $0xffff;
	(erf) = vpow2.f32 v61;
	v40 =	vor.u32 $0x1, v48  }
0x162: {  	v42 =	vor.u32 $0x3, v42;
	v37 =	vld.idx.msk [tilespmem:v39+s3+$0x0], $0xffff;
	v57 =	vadd.f32 $1.000000000e+00, v56;
	(erf) = vrcp.f32 v62;
	v58 =	vpop (erf)  }
0x163: {  	v43 =	vor.u32 $0x1, v50;
	v54 =	vor.u32 $0x2, v48;
	v59 =	vadd.f32 $1.000000000e+00, v58;
	v60 =	vpop (erf);
	v31 =	vld.idx.msk [tilespmem:v63+s3+$0x0], $0xffff  }
0x164: {  	(erf) = vrcp.f32 v57;
	v45 =	vshll.u32 v27, $0x10;
	v52 =	vadd.f32 $1.000000000e+00, v60;
	v33 =	vld.idx.msk [tilespmem:v48+s3+$0x0], $0xffff  }
0x165: {  	v55 =	vshll.u32 v28, $0x10;
	v57 =	vshll.u32 v25, $0x10;
	v27 =	vand.u32 $0xFFFF0000, v27;
	v61 =	vpop (erf);
	v32 =	vld.idx.msk [tilespmem:v50+s3+$0x0], $0xffff  }
0x166: {  	v28 =	vand.u32 $0xFFFF0000, v28;
	(erf) = vrcp.f32 v59;
	v56 =	vadd.f32 $1.000000000e+00, v61;
	v39 =	vld.idx.msk [tilespmem:v40+s3+$0x0], $0xffff  }
0x167: {  	v25 =	vand.u32 $0xFFFF0000, v25;
	v58 =	vshll.u32 v23, $0x10;
	v60 =	vshll.u32 v36, $0x10;
	v40 =	vld.idx.msk [tilespmem:v41+s3+$0x0], $0xffff  }
0x168: {  	v59 =	vshll.u32 v35, $0x10;
	v55 =	vadd.f32 v55, v60;
	(erf) = vrcp.f32 v52;
	v41 =	vld.idx.msk [tilespmem:v43+s3+$0x0], $0xffff;
	v52 =	vpop (erf)  }
0x169: {  	v60 =	vshll.u32 v34, $0x10;
	v59 =	vadd.f32 v45, v59;
	v43 =	vld.idx.msk [tilespmem:v49+s3+$0x0], $0xffff;
	v45 =	vshll.u32 v31, $0x10;
	v61 =	vpop (erf)  }
0x16a: {  	v38 =	vld.idx.msk [tilespmem:v38+s3+$0x0], $0xffff;
	(erf) = vrcp.f32 v56;
	v62 =	vshll.u32 v33, $0x10;
	v61 =	vmul.f32 v61, v1;
	v56 =	vpop (erf)  }
0x16b: {  	v52 =	vadd.f32 $1.000000000e+00, v52;
	v60 =	vadd.f32 v60, v45;
	v63 =	vshll.u32 v32, $0x10;
	v9 =	vpop (erf)  }
0x16c: {  	v45 =	vld.idx.msk [tilespmem:v46+s3+$0x0], $0xffff;
	v57 =	vadd.f32 v57, v62;
	v61 =	vadd.f32 v61, v8;
	v9 =	vmul.f32 v9, v2  }
0x16d: {  	v46 =	vld.idx.msk [tilespmem:v51+s3+$0x0], $0xffff;
	(erf) = vrcp.f32 v52;
	v58 =	vadd.f32 v58, v63;
	v51 =	vshll.u32 v41, $0x10;
	v62 =	vpop (erf)  }
0x16e: {  	v10 =	vshll.u32 v43, $0x10;
	v9 =	vadd.f32 v9, v61;
	v52 =	vmul.f32 v62, v3  }
0x16f: {  	v49 =	vshll.u32 v38, $0x10;
	v56 =	vadd.f32 $1.000000000e+00, v56;
	v10 =	vadd.f32 v10, v51;
	v62 =	vpop (erf)  }
0x170: {  	v9 =	vadd.f32 v52, v9;
	v52 =	vmul.f32 v62, v4;
	v62 =	vshll.u32 v39, $0x10  }
0x171: {  	v51 =	vld.idx.msk [tilespmem:v53+s3+$0x0], $0xffff;
	v53 =	vmul.f32 $1.442695020e+00, v59;
	(erf) = vrcp.f32 v56;
	v56 =	vshll.u32 v40, $0x10;
	v63 =	vpop (erf)  }
0x172: {  	v61 =	vshll.u32 v37, $0x10;
	v9 =	vadd.f32 v52, v9;
	v52 =	vmul.f32 v63, v5  }
0x173: {  	v44 =	vld.idx.msk [tilespmem:v44+s3+$0x0], $0xffff;
	v61 =	vadd.f32 v49, v61;
	v56 =	vadd.f32 v56, v62;
	v63 =	vor.u32 $0x6, v29;
	v62 =	vpop (erf)  }
0x174: {  	v49 =	vor.u32 $0x2, v50;
	v9 =	vadd.f32 v9, v52;
	v52 =	vmul.f32 v62, v6  }
0x175: {  	v23 =	vand.u32 $0xFFFF0000, v23;
	v35 =	vand.u32 $0xFFFF0000, v35;
	v62 =	vor.u32 $0x6, v24  }
0x176: {  	(erf) = vpow2.f32 v53;
	v53 =	vld.idx.msk [tilespmem:v30+s3+$0x0], $0xffff;
	v9 =	vadd.f32 v9, v52;
	v52 =	vor.u32 $0x3, v47  }
0x177: {  	v32 =	vand.u32 $0xFFFF0000, v32;
	v11 =	vshll.u32 v45, $0x10;
	v30 =	vshll.u32 v46, $0x10;
	v47 =	vld.idx.msk [tilespmem:v54+s3+$0x0], $0xffff;
	v54 =	vpop (erf)  }
0x178: {  	v10 =	vmul.f32 $1.442695020e+00, v10;
	v59 =	vld.idx.msk [tilespmem:v63+s3+$0x0], $0xffff;
	v54 =	vmul.f32 v54, v7;
	v63 =	vshll.u32 v44, $0x10  }
0x179: {  	v29 =	vor.u32 $0x7, v29;
	v49 =	vld.idx.msk [tilespmem:v49+s3+$0x0], $0xffff;
	v24 =	vor.u32 $0x7, v24;
	v11 =	vadd.f32 v11, v63  }
0x17a: {  	v63 =	vor.u32 $0x3, v48;
	v48 =	vmul.f32 $1.442695020e+00, v55;
	v9 =	vadd.f32 v9, v54;
	v54 =	vld.idx.msk [tilespmem:v62+s3+$0x0], $0xffff  }
0x17b: {  	v61 =	vmul.f32 $1.442695020e+00, v61;
	v62 =	vor.u32 $0x3, v50;
	v50 =	vld.idx.msk [tilespmem:v52+s3+$0x0], $0xffff;
	v52 =	vmul.f32 $1.442695020e+00, v57;
	v57 =	vpop (erf)  }
0x17c: {  	(erf) = vpow2.f32 v48;
	v48 =	vld.idx.msk [tilespmem:v26+s3+$0x0], $0xffff;
	v55 =	vmul.f32 v57, v0;
	v57 =	vshll.u32 v51, $0x10  }
0x17d: {  	v56 =	vmul.f32 $1.442695020e+00, v56;
	v57 =	vadd.f32 v57, v30;
	v30 =	vld.idx.msk [tilespmem:v42+s3+$0x0], $0xffff;
	v42 =	vmul.f32 $1.442695020e+00, v58  }
0x17e: {  	v26 =	vld.idx.msk [tilespmem:v24+s3+$0x0], $0xffff;
	v11 =	vmul.f32 $1.442695020e+00, v11;
	(erf) = vpow2.f32 v52;
	v52 =	vadd.f32 v9, v55  }
0x17f: {  	v23 =	vadd.f32 v23, v32;
	v58 =	vmul.f32 $1.442695020e+00, v60;
	(erf) = vpow2.f32 v42;
	v42 =	vld.idx.msk [tilespmem:v29+s3+$0x0], $0xffff  }
0x180: {  	v60 =	vshll.u32 v59, $0x10;
	v55 =	vshll.u32 v47, $0x10;
	v29 =	vld.idx.msk [tilespmem:v62+s3+$0x0], $0xffff;
	v52 =	vsub.f32 $0.0e+00, v52  }
0x181: {  	v9 =	vld.idx.msk [tilespmem:v63+s3+$0x0], $0xffff;
	v63 =	vshll.u32 v54, $0x10;
	v55 =	vadd.f32 v60, v55;
	(erf) = vpow2.f32 v58  }
0x182: {  	v60 =	vshll.u32 v49, $0x10;
	(erf) = vpow2.f32 v61;
	v52 =	vmul.f32 $1.442695020e+00, v52  }
0x183: {  	v62 =	vshll.u32 v26, $0x10;
	v58 =	vshll.u32 v50, $0x10;
	(erf) = vpow2.f32 v56  }
0x184: {  	v24 =	vadd.f32 v63, v60;
	v60 =	vshll.u32 v53, $0x10;
	(erf) = vpow2.f32 v52  }
0x185: {  	v58 =	vadd.f32 v60, v58;
	v55 =	vmul.f32 $1.442695020e+00, v55;
	v61 =	vshll.u32 v29, $0x10  }
0x186: {  	v63 =	vpop (erf);
	v56 =	vshll.u32 v30, $0x10;
	v60 =	vshll.u32 v9, $0x10;
	v52 =	vshll.u32 v48, $0x10  }
0x187: {  	v52 =	vadd.f32 v52, v56;
	v56 =	vshll.u32 v42, $0x10;
	(erf) = vpow2.f32 v10;
	v10 =	vpop (erf)  }
0x188: {  	v56 =	vadd.f32 v56, v60;
	v60 =	vadd.f32 v62, v61;
	v62 =	vand.u32 $0xFFFF0000, v36;
	v61 =	vpop (erf)  }
0x189: {  	(erf) = vpow2.f32 v11;
	v11 =	vadd.f32 v28, v62;
	v62 =	vmul.f32 $1.442695020e+00, v57;
	v36 =	vpop (erf)  }
0x18a: {  	v27 =	vadd.f32 v27, v35;
	v31 =	vand.u32 $0xFFFF0000, v31;
	v23 =	vmul.f32 $1.442695020e+00, v23;
	v35 =	vpop (erf)  }
0x18b: {  	v33 =	vand.u32 $0xFFFF0000, v33;
	v24 =	vmul.f32 $1.442695020e+00, v24;
	v57 =	vpop (erf);
	(erf) = vpow2.f32 v62  }
0x18c: {  	v25 =	vadd.f32 v25, v33;
	v56 =	vmul.f32 $1.442695020e+00, v56;
	v28 =	vpop (erf);
	(erf) = vpow2.f32 v55  }
0x18d: {  	v26 =	vand.u32 $0xFFFF0000, v26;
	v11 =	vmul.f32 $1.442695020e+00, v11;
	(erf) = vpow2.f32 v24;
	v55 =	vpop (erf)  }
0x18e: {  	v62 =	vadd.f32 $1.000000000e+00, v55;
	v55 =	vmul.f32 $1.442695020e+00, v58;
	v58 =	vand.u32 $0xFFFF0000, v34  }
0x18f: {  	v31 =	vadd.f32 v58, v31;
	v58 =	vmul.f32 $1.442695020e+00, v60;
	v60 =	vand.u32 $0xFFFF0000, v39  }
0x190: {  	v39 =	vand.u32 $0xFFFF0000, v41;
	(erf) = vrcp.f32 v62;
	v62 =	vmul.f32 $1.442695020e+00, v52  }
0x191: {  	v41 =	vmul.f32 $1.442695020e+00, v25;
	v52 =	vand.u32 $0xFFFF0000, v37;
	(erf) = vpow2.f32 v55  }
0x192: {  	v55 =	vand.u32 $0xFFFF0000, v38;
	v38 =	vmul.f32 $1.442695020e+00, v27;
	(erf) = vpow2.f32 v62  }
0x193: {  	v31 =	vmul.f32 $1.442695020e+00, v31;
	v32 =	vadd.f32 v55, v52;
	(erf) = vpow2.f32 v56  }
0x194: {  	v62 =	vand.u32 $0xFFFF0000, v40;
	v40 =	vand.u32 $0xFFFF0000, v43;
	(erf) = vpow2.f32 v58  }
0x195: {  	v43 =	vand.u32 $0xFFFF0000, v44;
	v44 =	vand.u32 $0xFFFF0000, v45;
	(erf) = vpow2.f32 v38  }
0x196: {  	v45 =	vand.u32 $0xFFFF0000, v46;
	v46 =	vand.u32 $0xFFFF0000, v51;
	(erf) = vpow2.f32 v11  }
0x197: {  	v51 =	vand.u32 $0xFFFF0000, v59;
	v34 =	vadd.f32 v62, v60;
	v11 =	vpop (erf);
	(erf) = vpow2.f32 v41  }
0x198: {  	v32 =	vmul.f32 $1.442695020e+00, v32;
	v24 =	vpop (erf);
	(erf) = vpow2.f32 v23;
	v23 =	vand.u32 $0xFFFF0000, v47  }
0x199: {  	v30 =	vand.u32 $0xFFFF0000, v30;
	v38 =	vadd.f32 v51, v23;
	v23 =	vmul.f32 $1.442695020e+00, v34  }
0x19a: {  	v9 =	vand.u32 $0xFFFF0000, v9;
	v29 =	vand.u32 $0xFFFF0000, v29;
	v27 =	vadd.f32 v40, v39;
	v37 =	vpop (erf)  }
0x19b: {  	v42 =	vand.u32 $0xFFFF0000, v42;
	v26 =	vadd.f32 v26, v29;
	(erf) = vpow2.f32 v31;
	v31 =	vpop (erf)  }
0x19c: {  	v10 =	vadd.f32 $1.000000000e+00, v10;
	v27 =	vmul.f32 $1.442695020e+00, v27;
	(erf) = vpow2.f32 v32;
	v32 =	vpop (erf)  }
0x19d: {  	v9 =	vadd.f32 v42, v9;
	v58 =	vadd.f32 $1.000000000e+00, v63;
	(erf) = vpow2.f32 v23;
	v23 =	vpop (erf)  }
0x19e: {  	v17 =	vmul.f32 $1.442695020e+00, v26;
	v36 =	vadd.f32 $1.000000000e+00, v36;
	(erf) = vpow2.f32 v27;
	v60 =	vpop (erf)  }
0x19f: {  	v25 =	vadd.f32 v44, v43;
	v63 =	vadd.f32 $1.000000000e+00, v61;
	(erf) = vrcp.f32 v58;
	v62 =	vpop (erf)  }
0x1a0: {  	v52 =	vand.u32 $0xFFFF0000, v49;
	v33 =	vadd.f32 v46, v45;
	(erf) = vrcp.f32 v10;
	v10 =	vpop (erf)  }
0x1a1: {  	v55 =	vand.u32 $0xFFFF0000, v54;
	v25 =	vmul.f32 $1.442695020e+00, v25;
	(erf) = vrcp.f32 v63;
	v46 =	vpop (erf)  }
0x1a2: {  	v33 =	vmul.f32 $1.442695020e+00, v33;
	v34 =	vadd.f32 v55, v52;
	(erf) = vrcp.f32 v36;
	v47 =	vpop (erf)  }
0x1a3: {  	v45 =	vand.u32 $0xFFFF0000, v48;
	v38 =	vmul.f32 $1.442695020e+00, v38;
	(erf) = vpow2.f32 v25;
	v48 =	vpop (erf)  }
0x1a4: {  	v35 =	vadd.f32 $1.000000000e+00, v35;
	v34 =	vmul.f32 $1.442695020e+00, v34;
	(erf) = vpow2.f32 v33;
	v49 =	vpop (erf)  }
0x1a5: {  	v59 =	vand.u32 $0xFFFF0000, v53;
	v56 =	vand.u32 $0xFFFF0000, v50;
	(erf) = vpow2.f32 v38;
	v50 =	vpop (erf)  }
0x1a6: {  	v11 =	vadd.f32 $1.000000000e+00, v11;
	v51 =	vadd.f32 $1.000000000e+00, v57;
	(erf) = vpow2.f32 v34;
	v52 =	vpop (erf)  }
0x1a7: {  	v28 =	vadd.f32 $1.000000000e+00, v28;
	v39 =	vadd.f32 v59, v56;
	(erf) = vrcp.f32 v35;
	v53 =	vpop (erf)  }
0x1a8: {  	v9 =	vmul.f32 $1.442695020e+00, v9;
	v30 =	vadd.f32 v45, v30;
	(erf) = vrcp.f32 v51;
	v54 =	vpop (erf)  }
0x1a9: {  	v39 =	vmul.f32 $1.442695020e+00, v39;
	(erf) = vrcp.f32 v28;
	v55 =	vpop (erf)  }
0x1aa: {  	v56 =	vmul.f32 $1.442695020e+00, v30;
	(erf) = vrcp.f32 v11;
	v11 =	vpop (erf)  }
0x1ab: {  	v15 =	vadd.f32 v15, v22;
	(erf) = vpow2.f32 v39;
	v57 =	vpop (erf)  }
0x1ac: {  	v14 =	vadd.f32 v14, v19;
	v22 =	vadd.f32 $1.000000000e+00, v37;
	(erf) = vpow2.f32 v56;
	v21 =	vpop (erf)  }
0x1ad: {  	v24 =	vadd.f32 $1.000000000e+00, v24;
	v19 =	vadd.f32 $1.000000000e+00, v31;
	(erf) = vpow2.f32 v9;
	v9 =	vpop (erf)  }
0x1ae: {  	v18 =	vmul.f32 v18, v0;
	(erf) = vpow2.f32 v17;
	v17 =	vpop (erf)  }
0x1af: {  	(erf) = vrcp.f32 v24;
	v58 =	vpop (erf)  }
0x1b0: {  	v20 =	vadd.f32 v20, v18;
	v59 =	vadd.f32 $1.000000000e+00, v32;
	(erf) = vrcp.f32 v22;
	v22 =	vpop (erf)  }
0x1b1: {  	v27 =	vadd.f32 $1.000000000e+00, v60;
	v18 =	vadd.f32 $1.000000000e+00, v62;
	(erf) = vrcp.f32 v19;
	v19 =	vpop (erf)  }
0x1b2: {  	v10 =	vadd.f32 $1.000000000e+00, v10;
	v63 =	vadd.f32 $1.000000000e+00, v46;
	v60 =	vpop (erf)  }
0x1b3: {  	[tilespmem:$0x1FF40] =	vst v0;
	v0 =	vadd.f32 $1.000000000e+00, v47;
	v25 =	vadd.f32 $1.000000000e+00, v48;
	v61 =	vpop (erf)  }
0x1b4: {  	v43 =	vadd.f32 $1.000000000e+00, v50;
	v44 =	vadd.f32 $1.000000000e+00, v52;
	(erf) = vrcp.f32 v59;
	v62 =	vpop (erf)  }
0x1b5: {  	v48 =	vadd.f32 $1.000000000e+00, v53;
	v50 =	vadd.f32 $1.000000000e+00, v54;
	(erf) = vrcp.f32 v27;
	v36 =	vpop (erf)  }
0x1b6: {  	v39 =	vadd.f32 $1.000000000e+00, v49;
	v11 =	vmul.f32 v11, v1;
	(erf) = vrcp.f32 v18;
	v18 =	vpop (erf)  }
0x1b7: {  	v28 =	vadd.f32 $1.000000000e+00, v55;
	v30 =	vmul.f32 v57, v1;
	(erf) = vrcp.f32 v10;
	v10 =	vpop (erf)  }
0x1b8: {  	v11 =	vadd.f32 v11, v8;
	v21 =	vmul.f32 v21, v1;
	(erf) = vrcp.f32 v63;
	v37 =	vpop (erf)  }
0x1b9: {  	v30 =	vadd.f32 v30, v8;
	v9 =	vmul.f32 v9, v1;
	v40 =	vpop (erf);
	(erf) = vrcp.f32 v0  }
0x1ba: {  	v21 =	vadd.f32 v21, v8;
	v17 =	vadd.f32 $1.000000000e+00, v17;
	(erf) = vrcp.f32 v25  }
0x1bb: {  	v9 =	vadd.f32 v9, v8;
	v29 =	vmul.f32 v60, v2;
	v41 =	vpop (erf);
	(erf) = vrcp.f32 v39  }
0x1bc: {  	v24 =	vadd.f32 $1.000000000e+00, v58;
	v26 =	vmul.f32 v61, v2;
	v45 =	vpop (erf);
	(erf) = vrcp.f32 v43  }
0x1bd: {  	v19 =	vadd.f32 $1.000000000e+00, v19;
	v27 =	vmul.f32 v62, v2;
	v47 =	vpop (erf);
	(erf) = vrcp.f32 v44  }
0x1be: {  	v11 =	vadd.f32 v29, v11;
	v29 =	vmul.f32 v36, v2;
	v49 =	vpop (erf);
	(erf) = vrcp.f32 v48  }
0x1bf: {  	v26 =	vadd.f32 v26, v30;
	v21 =	vadd.f32 v27, v21;
	v51 =	vpop (erf);
	(erf) = vrcp.f32 v50  }
0x1c0: {  	v9 =	vadd.f32 v29, v9;
	v46 =	vmul.f32 v45, v3;
	v53 =	vpop (erf);
	(erf) = vrcp.f32 v28  }
0x1c1: {  	v29 =	vmul.f32 v49, v3;
	v54 =	vpop (erf);
	(erf) = vrcp.f32 v17;
	v17 =	vadd.f32 $1.000000000e+00, v22  }
0x1c2: {  	v18 =	vadd.f32 $1.000000000e+00, v18;
	v32 =	vmul.f32 v41, v3;
	v31 =	vmul.f32 v47, v3;
	v56 =	vpop (erf)  }
0x1c3: {  	v25 =	vadd.f32 v46, v26;
	v9 =	vadd.f32 v29, v9;
	v29 =	vmul.f32 v53, v4;
	v57 =	vpop (erf)  }
0x1c4: {  	v21 =	vadd.f32 v31, v21;
	v55 =	vmul.f32 v54, v4;
	(erf) = vrcp.f32 v24;
	v59 =	vpop (erf)  }
0x1c5: {  	v22 =	vadd.f32 v29, v25;
	(erf) = vrcp.f32 v17;
	v26 =	vmul.f32 v59, v5;
	v17 =	vpop (erf)  }
0x1c6: {  	v58 =	vmul.f32 v56, v4;
	v21 =	vadd.f32 v55, v21;
	(erf) = vrcp.f32 v19;
	v60 =	vpop (erf)  }
0x1c7: {  	(erf) = vrcp.f32 v18;
	v18 =	vadd.f32 v22, v26;
	v22 =	vmul.f32 v60, v5  }
0x1c8: {  	v9 =	vadd.f32 v58, v9;
	v17 =	vmul.f32 v17, v5;
	v19 =	vpop (erf)  }
0x1c9: {  	[tilespmem:$0x1FF50] =	vst v1;
	v10 =	vadd.f32 $1.000000000e+00, v10;
	v11 =	vadd.f32 v32, v11;
	v52 =	vmul.f32 v51, v4;
	v61 =	vpop (erf)  }
0x1ca: {  	[tilespmem:$0x1FF60] =	vst v8;
	v17 =	vadd.f32 v21, v17;
	v21 =	vpop (erf);
	v9 =	vadd.f32 v9, v22  }
0x1cb: {  	[tilespmem:$0x1FF70] =	vst v2;
	v11 =	vadd.f32 v52, v11;
	v25 =	vmul.f32 v57, v5;
	v24 =	vmul.f32 v61, v6;
	v22 =	vpop (erf)  }
0x1cc: {  	[tilespmem:$0x1FF80] =	vst v3;
	v63 =	vld [tilespmem:$0x1FFD0];
	v21 =	vmul.f32 v21, v6;
	v22 =	vmul.f32 v22, v6  }
0x1cd: {  	[tilespmem:$0x1FF90] =	vst v4;
	v11 =	vadd.f32 v11, v25;
	(erf) = vrcp.f32 v10;
	v10 =	vadd.f32 v18, v24  }
0x1ce: {  	[tilespmem:$0x1FFA0] =	vst v5;
	v19 =	vmul.f32 v19, v6;
	v18 =	vadd.f32 v17, v21;
	v17 =	vadd.f32 v9, v22;
	v9 =	vpop (erf)  }
0x1cf: {  	s21 =	simm.s32 $0x18760;
	v16 =	vsub.f32 $0.0e+00, v16;
	v14 =	vsub.f32 $0.0e+00, v14;
	[tilespmem:$0x1FFB0] =	vst v6;
	v62 =	vld [tilespmem:$0x1FFC0];
	v9 =	vmul.f32 v9, v7  }
0x1d0: {  	s22 =	simm.s32 $0x18710;
	[tilespmem:s21+$0x20] =	vst v23;
	v11 =	vadd.f32 v11, v19;
	v19 =	vadd.f32 $1.000000000e+00, v37  }
0x1d1: {  	v13 =	vadd.f32 $1.000000000e+00, v13;
	[tilespmem:s22+$0x20] =	vst v63;
	v21 =	vsub.f32 $0.0e+00, v15  }
0x1d2: {  	v20 =	vsub.f32 $0.0e+00, v20;
	v0 =	vld [tilespmem:$0x1FFE0];
	(erf) = vrcp.f32 v19;
	v19 =	vadd.f32 $1.000000000e+00, v40  }
0x1d3: {  	v22 =	vmul.f32 $1.442695020e+00, v16;
	v21 =	vmul.f32 $1.442695020e+00, v21;
	v11 =	vadd.f32 v11, v9;
	v9 =	vpop (erf)  }
0x1d4: {  	v15 =	vadd.f32 $1.000000000e+00, v62;
	(erf) = vrcp.f32 v19;
	v9 =	vmul.f32 v9, v7  }
0x1d5: {  	v16 =	vadd.f32 $1.000000000e+00, v12;
	v19 =	vmul.f32 $1.442695020e+00, v14;
	(erf) = vpow2.f32 v22;
	v14 =	vpop (erf)  }
0x1d6: {  	v12 =	vmul.f32 $1.442695020e+00, v20;
	(erf) = vpow2.f32 v21;
	v9 =	vadd.f32 v10, v9;
	v10 =	vpop (erf)  }
0x1d7: {  	s23 =	simm.s32 $0xA;
	s24 =	simm.s32 $0x13990;
	[tilespmem:$0x1FFF0] =	vst v7;
	v20 =	vmul.f32 v14, v7;
	v14 =	vadd.f32 $1.000000000e+00, v0;
	v10 =	vmul.f32 v10, v7;
	v21 =	vpop (erf)  }
.LBB2_2:
0x1d8: {  	v4 =	vld [tilespmem:$0x1FF40];
	_ =	sdelay $0x2  }
0x1d9: {  	s20 =	sadd.s32 $0x50, s20  }
0x1da: {  	v18 =	vadd.f32 v18, v20;
	v20 =	vpop (erf);
	(erf) = vpow2.f32 v19;
	v19 =	vld [tilespmem:s20+$0x20]  }
0x1db: {  	v22 =	vld [tilespmem:s24+$0x20];
	v0 =	vmul.f32 v21, v4  }
0x1dc: {  	v24 =	vld [tilespmem:s24+$0x0];
	v17 =	vadd.f32 v17, v10;
	v10 =	vpop (erf);
	(erf) = vpow2.f32 v12;
	v20 =	vmul.f32 v20, v4  }
0x1dd: {  	v23 =	vld [tilespmem:s20+$0xFFFFFFF0];
	v10 =	vmul.f32 v10, v4;
	v21 =	vpop (erf);
	(erf) = vrcp.f32 v15;
	v11 =	vadd.f32 v11, v0  }
0x1de: {  	(erf) = vrcp.f32 v16;
	v15 =	vadd.f32 v9, v20;
	v20 =	vmul.f32 v21, v4;
	v21 =	vld [tilespmem:s20+$0x0]  }
0x1df: {  	v19 =	vshll.u32 v19, $0x3;
	v0 =	vsub.f32 $0.0e+00, v11;
	v11 =	vadd.f32 v18, v10;
	v18 =	vld [tilespmem:s20+$0x10]  }
0x1e0: {  	(erf) = vrcp.f32 v13;
	v25 =	vor.u32 $0x4, v19;
	v13 =	vadd.f32 v17, v20;
	v17 =	vld [tilespmem:s24+$0xFFFFFFF0]  }
0x1e1: {  	v20 =	vshll.u32 v22, $0x3  }
0x1e2: {  	v12 =	vld [tilespmem:s20+$0xFFFFFFE0];
	v38 =	vshll.u32 v24, $0x3;
	v28 =	vor.u32 $0x1, v20  }
0x1e3: {  	v29 =	vld [tilespmem:s24+$0xFFFFFFE0];
	(erf) = vrcp.f32 v14;
	v34 =	vshll.u32 v21, $0x3;
	v21 =	vor.u32 $0x5, v19  }
0x1e4: {  	v27 =	vshll.u32 v23, $0x3;
	v23 =	vld [tilespmem:s24+$0x10];
	v36 =	vshll.u32 v18, $0x3;
	v18 =	vor.u32 $0x2, v20  }
0x1e5: {  	v61 =	vsub.f32 $0.0e+00, v15;
	v15 =	vpop (erf);
	v25 =	vld.idx.msk [tilespmem:v25+s3+$0x0], $0xffff;
	v32 =	vshll.u32 v17, $0x3;
	v17 =	vor.u32 $0x6, v19  }
0x1e6: {  	v42 =	vor.u32 $0x1, v38;
	v16 =	vpop (erf);
	v35 =	vld.idx.msk [tilespmem:v20+s3+$0x0], $0xffff;
	v20 =	vor.u32 $0x3, v20  }
0x1e7: {  	v30 =	vor.u32 $0x4, v27;
	v22 =	vshll.u32 v12, $0x3;
	v12 =	vsub.f32 $0.0e+00, v13;
	v13 =	vpop (erf);
	v41 =	vld.idx.msk [tilespmem:v28+s3+$0x0], $0xffff  }
0x1e8: {  	v1 =	vor.u32 $0x5, v27;
	v53 =	vor.u32 $0x6, v27;
	v26 =	vor.u32 $0x4, v22;
	v14 =	vpop (erf);
	v43 =	vld.idx.msk [tilespmem:v21+s3+$0x0], $0xffff  }
0x1e9: {  	v40 =	vor.u32 $0x5, v22;
	v49 =	vor.u32 $0x6, v22;
	v19 =	vor.u32 $0x7, v19;
	v37 =	vpop (erf);
	v47 =	vld.idx.msk [tilespmem:v18+s3+$0x0], $0xffff  }
0x1ea: {  	[tilespmem:$0x1FF10] =	vst v0;
	v62 =	vsub.f32 $0.0e+00, v11;
	v39 =	vshll.u32 v23, $0x3;
	v0 =	vshll.u32 v29, $0x3;
	v63 =	vpop (erf);
	v51 =	vld.idx.msk [tilespmem:v17+s3+$0x0], $0xffff  }
0x1eb: {  	[tilespmem:$0x1FF20] =	vst v61;
	v61 =	vor.u32 $0x7, v22;
	v23 =	vpop (erf);
	v55 =	vld.idx.msk [tilespmem:v20+s3+$0x0], $0xffff;
	v18 =	vshll.u32 v35, $0x10;
	v20 =	vshll.u32 v25, $0x10  }
0x1ec: {  	v8 =	vld [tilespmem:$0x1FF80];
	v44 =	vor.u32 $0x1, v0;
	v31 =	vor.u32 $0x4, v34;
	[tilespmem:s19+$0x0] =	vst v23;
	v21 =	vpop (erf);
	v20 =	vadd.f32 v20, v18  }
0x1ed: {  	v9 =	vld [tilespmem:$0x1FF90];
	v45 =	vor.u32 $0x5, v34;
	[tilespmem:s19+$0x10] =	vst v21;
	v21 =	vshll.u32 v41, $0x10;
	v23 =	vshll.u32 v43, $0x10  }
0x1ee: {  	v33 =	vor.u32 $0x4, v36;
	v57 =	vld.idx.msk [tilespmem:v19+s3+$0x0], $0xffff;
	v20 =	vmul.f32 $1.442695020e+00, v20;
	v22 =	vadd.f32 v23, v21  }
0x1ef: {  	v10 =	vld [tilespmem:$0x1FFA0];
	v52 =	vor.u32 $0x2, v32;
	[tilespmem:s19+$0xFFFFFFE0] =	vst v37;
	v2 =	vshll.u32 v47, $0x10;
	v3 =	vshll.u32 v51, $0x10  }
0x1f0: {  	[tilespmem:$0x1FF30] =	vst v62;
	v17 =	vld.idx.msk [tilespmem:v26+s3+$0x0], $0xffff;
	(erf) = vpow2.f32 v20;
	v26 =	vadd.f32 v3, v2;
	v22 =	vmul.f32 $1.442695020e+00, v22  }
0x1f1: {  	v11 =	vld [tilespmem:$0x1FFB0];
	v62 =	vor.u32 $0x3, v32;
	v37 =	vor.u32 $0x1, v32;
	[tilespmem:s19+$0xFFFFFFF0] =	vst v63;
	v63 =	vor.u32 $0x7, v27  }
0x1f2: {  	v19 =	vld.idx.msk [tilespmem:v31+s3+$0x0], $0xffff;
	v25 =	vand.u32 $0xFFFF0000, v25;
	v26 =	vmul.f32 $1.442695020e+00, v26;
	(erf) = vpow2.f32 v22  }
0x1f3: {  	v24 =	vld.idx.msk [tilespmem:v32+s3+$0x0], $0xffff;
	v41 =	vand.u32 $0xFFFF0000, v41;
	v20 =	vshll.u32 v55, $0x10;
	v5 =	vshll.u32 v57, $0x10  }
0x1f4: {  	v28 =	vld.idx.msk [tilespmem:v38+s3+$0x0], $0xffff;
	v27 =	vadd.f32 v5, v20;
	v22 =	vand.u32 $0xFFFF0000, v35;
	(erf) = vpow2.f32 v26  }
0x1f5: {  	v32 =	vld.idx.msk [tilespmem:v45+s3+$0x0], $0xffff;
	v43 =	vand.u32 $0xFFFF0000, v43;
	v6 =	vand.u32 $0xFFFF0000, v47;
	v7 =	vadd.f32 v25, v22  }
0x1f6: {  	v20 =	vld.idx.msk [tilespmem:v44+s3+$0x0], $0xffff;
	v44 =	vand.u32 $0xFFFF0000, v51;
	v27 =	vmul.f32 $1.442695020e+00, v27;
	v26 =	vadd.f32 v43, v41  }
0x1f7: {  	v18 =	vld.idx.msk [tilespmem:v30+s3+$0x0], $0xffff;
	v51 =	vand.u32 $0xFFFF0000, v55;
	v47 =	vadd.f32 v44, v6;
	v31 =	vmul.f32 $1.442695020e+00, v7  }
0x1f8: {  	v30 =	vld.idx.msk [tilespmem:v42+s3+$0x0], $0xffff;
	v55 =	vand.u32 $0xFFFF0000, v57;
	(erf) = vpow2.f32 v27;
	v26 =	vmul.f32 $1.442695020e+00, v26  }
0x1f9: {  	v21 =	vld.idx.msk [tilespmem:v33+s3+$0x0], $0xffff;
	v57 =	vadd.f32 v55, v51;
	v29 =	vmul.f32 $1.442695020e+00, v47;
	(erf) = vpow2.f32 v31;
	v3 =	vpop (erf)  }
0x1fa: {  	v54 =	vor.u32 $0x2, v38;
	v23 =	vld.idx.msk [tilespmem:v0+s3+$0x0], $0xffff;
	(erf) = vpow2.f32 v26;
	v5 =	vadd.f32 $1.000000000e+00, v3  }
0x1fb: {  	v33 =	vld.idx.msk [tilespmem:v39+s3+$0x0], $0xffff;
	v31 =	vmul.f32 $1.442695020e+00, v57;
	v6 =	vpop (erf);
	(erf) = vpow2.f32 v29  }
0x1fc: {  	v51 =	vor.u32 $0x3, v38;
	v38 =	vld.idx.msk [tilespmem:v62+s3+$0x0], $0xffff;
	(erf) = vrcp.f32 v5  }
0x1fd: {  	v48 =	vor.u32 $0x2, v0;
	v27 =	vld.idx.msk [tilespmem:v1+s3+$0x0], $0xffff;
	v1 =	vpop (erf);
	(erf) = vpow2.f32 v31  }
0x1fe: {  	v46 =	vor.u32 $0x1, v39;
	v58 =	vor.u32 $0x2, v39;
	v35 =	vld.idx.msk [tilespmem:v53+s3+$0x0], $0xffff  }
0x1ff: {  	v60 =	vor.u32 $0x3, v0;
	v56 =	vor.u32 $0x6, v34;
	v53 =	vor.u32 $0x3, v39;
	v39 =	vld.idx.msk [tilespmem:v54+s3+$0x0], $0xffff  }
0x200: {  	v50 =	vor.u32 $0x5, v36;
	v22 =	vld.idx.msk [tilespmem:v40+s3+$0x0], $0xffff;
	v7 =	vshll.u32 v23, $0x10;
	v44 =	vadd.f32 $1.000000000e+00, v6  }
0x201: {  	v59 =	vor.u32 $0x6, v36;
	v0 =	vshll.u32 v28, $0x10;
	v25 =	vld.idx.msk [tilespmem:v37+s3+$0x0], $0xffff;
	v2 =	vshll.u32 v33, $0x10;
	v5 =	vpop (erf)  }
0x202: {  	v41 =	vshll.u32 v17, $0x10;
	v26 =	vld.idx.msk [tilespmem:v48+s3+$0x0], $0xffff;
	v3 =	vadd.f32 $1.000000000e+00, v1;
	(erf) = vrcp.f32 v44;
	v6 =	vpop (erf)  }
0x203: {  	v54 =	vor.u32 $0x7, v36;
	v45 =	vshll.u32 v21, $0x10;
	v41 =	vadd.f32 v41, v7;
	v31 =	vld.idx.msk [tilespmem:v52+s3+$0x0], $0xffff;
	v7 =	vpop (erf)  }
0x204: {  	v52 =	vor.u32 $0x7, v34;
	v34 =	vadd.f32 $1.000000000e+00, v5;
	v5 =	vld [tilespmem:$0x1FF50];
	(erf) = vrcp.f32 v3;
	v1 =	vpop (erf)  }
0x205: {  	v43 =	vshll.u32 v19, $0x10;
	v29 =	vld.idx.msk [tilespmem:v49+s3+$0x0], $0xffff;
	v49 =	vadd.f32 v45, v2;
	v36 =	vadd.f32 $1.000000000e+00, v6;
	v2 =	vpop (erf)  }
0x206: {  	v48 =	vadd.f32 v43, v0;
	(erf) = vrcp.f32 v34;
	v6 =	vld [tilespmem:$0x1FF60];
	v43 =	vadd.f32 $1.000000000e+00, v7;
	v7 =	vpop (erf)  }
0x207: {  	v15 =	vadd.f32 $1.000000000e+00, v15;
	(erf) = vrcp.f32 v36;
	v0 =	vadd.f32 $1.000000000e+00, v7;
	v7 =	vld [tilespmem:$0x1FF70]  }
0x208: {  	v16 =	vadd.f32 $1.000000000e+00, v16;
	v12 =	vmul.f32 $1.442695020e+00, v12;
	v37 =	vld.idx.msk [tilespmem:v46+s3+$0x0], $0xffff;
	(erf) = vrcp.f32 v43  }
0x209: {  	v13 =	vadd.f32 $1.000000000e+00, v13;
	v42 =	vshll.u32 v18, $0x10;
	v36 =	vld.idx.msk [tilespmem:v61+s3+$0x0], $0xffff;
	v61 =	vmul.f32 v2, v5  }
0x20a: {  	v46 =	vld.idx.msk [tilespmem:v59+s3+$0x0], $0xffff;
	v59 =	vshll.u32 v32, $0x10;
	v57 =	vshll.u32 v24, $0x10;
	v45 =	vadd.f32 $1.000000000e+00, v1  }
0x20b: {  	v40 =	vld.idx.msk [tilespmem:v50+s3+$0x0], $0xffff;
	v50 =	vshll.u32 v20, $0x10;
	v47 =	vadd.f32 v42, v57;
	v55 =	vshll.u32 v22, $0x10;
	v1 =	vpop (erf)  }
0x20c: {  	v43 =	vld.idx.msk [tilespmem:v51+s3+$0x0], $0xffff;
	(erf) = vrcp.f32 v45;
	v51 =	vadd.f32 v61, v6;
	v1 =	vmul.f32 v1, v7  }
0x20d: {  	v42 =	vld.idx.msk [tilespmem:v56+s3+$0x0], $0xffff;
	v56 =	vshll.u32 v25, $0x10;
	v62 =	vmul.f32 $1.442695020e+00, v41;
	v50 =	vadd.f32 v55, v50;
	v61 =	vpop (erf)  }
0x20e: {  	v41 =	vld.idx.msk [tilespmem:v63+s3+$0x0], $0xffff;
	(erf) = vrcp.f32 v0;
	v1 =	vadd.f32 v1, v51;
	v51 =	vmul.f32 v61, v8  }
0x20f: {  	v57 =	vshll.u32 v27, $0x10;
	v55 =	vmul.f32 $1.442695020e+00, v47;
	v44 =	vld.idx.msk [tilespmem:v58+s3+$0x0], $0xffff;
	v58 =	vshll.u32 v30, $0x10;
	v61 =	vpop (erf)  }
0x210: {  	v47 =	vld.idx.msk [tilespmem:v53+s3+$0x0], $0xffff;
	v53 =	vadd.f32 v59, v58;
	v3 =	vmul.f32 v61, v9;
	v59 =	vpop (erf);
	v1 =	vadd.f32 v51, v1  }
0x211: {  	v63 =	vshll.u32 v40, $0x10;
	v0 =	vadd.f32 v57, v56;
	v2 =	vpop (erf);
	(erf) = vpow2.f32 v62;
	v62 =	vld [tilespmem:$0x1FFF0]  }
0x212: {  	v34 =	vld.idx.msk [tilespmem:v60+s3+$0x0], $0xffff;
	v57 =	vshll.u32 v29, $0x10;
	v51 =	vmul.f32 v59, v10;
	v1 =	vadd.f32 v3, v1  }
0x213: {  	v60 =	vshll.u32 v37, $0x10;
	v58 =	vshll.u32 v31, $0x10;
	v45 =	vld.idx.msk [tilespmem:v52+s3+$0x0], $0xffff;
	v52 =	vmul.f32 $1.442695020e+00, v48  }
0x214: {  	v48 =	vld.idx.msk [tilespmem:v54+s3+$0x0], $0xffff;
	v54 =	vshll.u32 v26, $0x10;
	v2 =	vmul.f32 v2, v11;
	v1 =	vadd.f32 v1, v51  }
0x215: {  	v56 =	vadd.f32 v63, v60;
	v60 =	vshll.u32 v35, $0x10;
	v51 =	vadd.f32 v57, v54;
	v57 =	vpop (erf)  }
0x216: {  	(erf) = vpow2.f32 v55;
	v57 =	vmul.f32 v57, v62;
	v1 =	vadd.f32 v1, v2  }
0x217: {  	v14 =	vadd.f32 $1.000000000e+00, v14;
	v54 =	vadd.f32 v60, v58;
	(erf) = vpow2.f32 v52;
	v58 =	vpop (erf)  }
0x218: {  	v49 =	vmul.f32 $1.442695020e+00, v49;
	v60 =	vmul.f32 v58, v4;
	v1 =	vadd.f32 v1, v57  }
0x219: {  	v28 =	vand.u32 $0xFFFF0000, v28;
	v18 =	vand.u32 $0xFFFF0000, v18;
	v21 =	vand.u32 $0xFFFF0000, v21  }
0x21a: {  	v50 =	vmul.f32 $1.442695020e+00, v50;
	(erf) = vpow2.f32 v49;
	v1 =	vadd.f32 v1, v60  }
0x21b: {  	v33 =	vand.u32 $0xFFFF0000, v33;
	v19 =	vand.u32 $0xFFFF0000, v19;
	v0 =	vmul.f32 $1.442695020e+00, v0  }
0x21c: {  	v55 =	vshll.u32 v34, $0x10;
	v52 =	vmul.f32 $1.442695020e+00, v53;
	v1 =	vsub.f32 $0.0e+00, v1  }
0x21d: {  	v53 =	vmul.f32 $1.442695020e+00, v56;
	v56 =	vshll.u32 v38, $0x10;
	(erf) = vpow2.f32 v50  }
0x21e: {  	v2 =	vshll.u32 v36, $0x10;
	v50 =	vpop (erf);
	(erf) = vpow2.f32 v0;
	v1 =	vmul.f32 $1.442695020e+00, v1  }
0x21f: {  	v2 =	vadd.f32 v2, v55;
	v57 =	vshll.u32 v41, $0x10;
	v55 =	vpop (erf);
	(erf) = vpow2.f32 v52  }
0x220: {  	v0 =	vmul.f32 $1.442695020e+00, v51;
	v51 =	vadd.f32 v57, v56;
	v56 =	vpop (erf);
	(erf) = vpow2.f32 v1  }
0x221: {  	v17 =	vand.u32 $0xFFFF0000, v17;
	v23 =	vand.u32 $0xFFFF0000, v23;
	v19 =	vadd.f32 v19, v28  }
0x222: {  	v63 =	vshll.u32 v44, $0x10;
	v61 =	vshll.u32 v42, $0x10;
	v3 =	vshll.u32 v46, $0x10  }
0x223: {  	v59 =	vshll.u32 v39, $0x10;
	v3 =	vadd.f32 v3, v63;
	v57 =	vpop (erf);
	(erf) = vpow2.f32 v53  }
0x224: {  	v32 =	vand.u32 $0xFFFF0000, v32;
	v17 =	vadd.f32 v17, v23;
	v49 =	vadd.f32 v61, v59  }
0x225: {  	v3 =	vmul.f32 $1.442695020e+00, v3;
	v58 =	vshll.u32 v43, $0x10;
	v52 =	vmul.f32 $1.442695020e+00, v54  }
0x226: {  	v59 =	vshll.u32 v45, $0x10;
	v1 =	vmul.f32 $1.442695020e+00, v49;
	v23 =	vpop (erf);
	(erf) = vpow2.f32 v0  }
0x227: {  	v4 =	vshll.u32 v48, $0x10;
	v60 =	vshll.u32 v47, $0x10;
	v28 =	vpop (erf);
	(erf) = vpow2.f32 v52  }
0x228: {  	v54 =	vadd.f32 v59, v58;
	v59 =	vadd.f32 v21, v33;
	(erf) = vpow2.f32 v1;
	v33 =	vpop (erf)  }
0x229: {  	v63 =	vadd.f32 v4, v60;
	v60 =	vand.u32 $0xFFFF0000, v20;
	(erf) = vpow2.f32 v3;
	v61 =	vpop (erf)  }
0x22a: {  	v20 =	vand.u32 $0xFFFF0000, v22;
	v22 =	vand.u32 $0xFFFF0000, v25;
	v25 =	vadd.f32 $1.000000000e+00, v61  }
0x22b: {  	v24 =	vand.u32 $0xFFFF0000, v24;
	v19 =	vmul.f32 $1.442695020e+00, v19;
	v2 =	vmul.f32 $1.442695020e+00, v2  }
0x22c: {  	v40 =	vand.u32 $0xFFFF0000, v40;
	v17 =	vmul.f32 $1.442695020e+00, v17;
	v49 =	vpop (erf);
	(erf) = vrcp.f32 v25  }
0x22d: {  	v53 =	vadd.f32 v18, v24;
	v18 =	vmul.f32 $1.442695020e+00, v51;
	(erf) = vpow2.f32 v2  }
0x22e: {  	v27 =	vand.u32 $0xFFFF0000, v27;
	v21 =	vmul.f32 $1.442695020e+00, v63;
	v58 =	vmul.f32 $1.442695020e+00, v54  }
0x22f: {  	v3 =	vadd.f32 v20, v60;
	v20 =	vadd.f32 v27, v22;
	v22 =	vpop (erf);
	(erf) = vpow2.f32 v18  }
0x230: {  	v30 =	vand.u32 $0xFFFF0000, v30;
	v37 =	vand.u32 $0xFFFF0000, v37;
	v25 =	vpop (erf);
	(erf) = vpow2.f32 v58  }
0x231: {  	v4 =	vand.u32 $0xFFFF0000, v26;
	v0 =	vmul.f32 $1.442695020e+00, v53;
	v27 =	vpop (erf);
	(erf) = vpow2.f32 v21  }
0x232: {  	v63 =	vadd.f32 v32, v30;
	v21 =	vand.u32 $0xFFFF0000, v31;
	v31 =	vpop (erf);
	(erf) = vpow2.f32 v17  }
0x233: {  	v54 =	vand.u32 $0xFFFF0000, v44;
	v52 =	vand.u32 $0xFFFF0000, v39;
	(erf) = vpow2.f32 v0  }
0x234: {  	v53 =	vand.u32 $0xFFFF0000, v42;
	v1 =	vmul.f32 $1.442695020e+00, v59;
	(erf) = vpow2.f32 v19  }
0x235: {  	s19 =	smov.u32 s22;
	s22 =	smov.u32 s21;
	s21 =	sadd.s32 $0x50, s21;
	v51 =	vand.u32 $0xFFFF0000, v35;
	v35 =	vadd.f32 $1.000000000e+00, v57;
	v59 =	vadd.f32 v53, v52;
	v19 =	vpop (erf)  }
0x236: {  	v52 =	vand.u32 $0xFFFF0000, v45;
	v53 =	vand.u32 $0xFFFF0000, v47;
	[tilespmem:s21+$0x20] =	vst v19;
	v19 =	vpop (erf);
	(erf) = vpow2.f32 v1  }
0x237: {  	v60 =	vand.u32 $0xFFFF0000, v34;
	v34 =	vadd.f32 $1.000000000e+00, v56;
	v3 =	vmul.f32 $1.442695020e+00, v3  }
0x238: {  	v20 =	vmul.f32 $1.442695020e+00, v20;
	v61 =	vadd.f32 $1.000000000e+00, v50;
	v50 =	vand.u32 $0xFFFF0000, v43;
	v30 =	vpop (erf)  }
0x239: {  	v2 =	vmul.f32 $1.442695020e+00, v63;
	v63 =	vand.u32 $0xFFFF0000, v36;
	v18 =	vadd.f32 v40, v37;
	v36 =	vpop (erf)  }
0x23a: {  	v22 =	vadd.f32 $1.000000000e+00, v22;
	v17 =	vadd.f32 v51, v21;
	v51 =	vpop (erf);
	(erf) = vpow2.f32 v3  }
0x23b: {  	v40 =	vand.u32 $0xFFFF0000, v29;
	v18 =	vmul.f32 $1.442695020e+00, v18;
	v56 =	vpop (erf);
	(erf) = vpow2.f32 v20  }
0x23c: {  	v29 =	vadd.f32 $1.000000000e+00, v55;
	v58 =	vand.u32 $0xFFFF0000, v46;
	v57 =	vpop (erf);
	(erf) = vpow2.f32 v2  }
0x23d: {  	v24 =	vadd.f32 v40, v4;
	v0 =	vmul.f32 $1.442695020e+00, v59;
	v59 =	vpop (erf);
	(erf) = vpow2.f32 v18  }
0x23e: {  	v4 =	vand.u32 $0xFFFF0000, v38;
	v46 =	vand.u32 $0xFFFF0000, v41;
	(erf) = vrcp.f32 v61  }
0x23f: {  	v25 =	vadd.f32 $1.000000000e+00, v25;
	v1 =	vadd.f32 v63, v60;
	v60 =	vpop (erf);
	(erf) = vrcp.f32 v29  }
0x240: {  	v55 =	vadd.f32 v46, v4;
	v24 =	vmul.f32 $1.442695020e+00, v24;
	(erf) = vrcp.f32 v34  }
0x241: {  	v21 =	vadd.f32 v58, v54;
	v17 =	vmul.f32 $1.442695020e+00, v17;
	(erf) = vrcp.f32 v35  }
0x242: {  	v27 =	vadd.f32 $1.000000000e+00, v27;
	v18 =	vadd.f32 $1.000000000e+00, v23;
	(erf) = vpow2.f32 v24  }
0x243: {  	v54 =	vand.u32 $0xFFFF0000, v48;
	v21 =	vmul.f32 $1.442695020e+00, v21;
	v42 =	vpop (erf);
	(erf) = vpow2.f32 v17  }
0x244: {  	v41 =	vadd.f32 $1.000000000e+00, v31;
	v58 =	vadd.f32 v54, v53;
	v43 =	vpop (erf);
	(erf) = vpow2.f32 v0  }
0x245: {  	v63 =	vadd.f32 $1.000000000e+00, v49;
	v23 =	vadd.f32 $1.000000000e+00, v28;
	v46 =	vpop (erf);
	(erf) = vpow2.f32 v21  }
0x246: {  	v1 =	vmul.f32 $1.442695020e+00, v1;
	v61 =	vadd.f32 $1.000000000e+00, v33;
	(erf) = vrcp.f32 v18;
	v18 =	vpop (erf)  }
0x247: {  	v3 =	vmul.f32 $1.442695020e+00, v55;
	v20 =	vadd.f32 v52, v50;
	v49 =	vpop (erf);
	(erf) = vrcp.f32 v23  }
0x248: {  	v44 =	vadd.f32 $1.000000000e+00, v36;
	v2 =	vmul.f32 $1.442695020e+00, v58;
	v50 =	vpop (erf);
	(erf) = vrcp.f32 v61  }
0x249: {  	v45 =	vadd.f32 $1.000000000e+00, v51;
	v20 =	vmul.f32 $1.442695020e+00, v20;
	v52 =	vpop (erf);
	(erf) = vrcp.f32 v63  }
0x24a: {  	v47 =	vadd.f32 $1.000000000e+00, v57;
	v48 =	vadd.f32 $1.000000000e+00, v59;
	(erf) = vpow2.f32 v1;
	v54 =	vpop (erf)  }
0x24b: {  	v26 =	vadd.f32 $1.000000000e+00, v60;
	v17 =	vadd.f32 $1.000000000e+00, v19;
	v55 =	vpop (erf);
	(erf) = vpow2.f32 v3  }
0x24c: {  	v19 =	vadd.f32 $1.000000000e+00, v30;
	v53 =	vmul.f32 v49, v5;
	v57 =	vpop (erf);
	(erf) = vpow2.f32 v20  }
0x24d: {  	v29 =	vadd.f32 $1.000000000e+00, v43;
	v30 =	vmul.f32 v50, v5;
	v58 =	vpop (erf);
	(erf) = vpow2.f32 v2  }
0x24e: {  	v21 =	vadd.f32 $1.000000000e+00, v56;
	v34 =	vmul.f32 v52, v5;
	(erf) = vrcp.f32 v22;
	v22 =	vpop (erf)  }
0x24f: {  	v51 =	vadd.f32 $1.000000000e+00, v46;
	v1 =	vmul.f32 v54, v5;
	v61 =	vpop (erf);
	(erf) = vrcp.f32 v25  }
0x250: {  	v59 =	vadd.f32 v53, v6;
	v30 =	vadd.f32 v30, v6;
	v4 =	vpop (erf);
	(erf) = vrcp.f32 v27  }
0x251: {  	v63 =	vadd.f32 v34, v6;
	v1 =	vadd.f32 v1, v6;
	v6 =	vpop (erf);
	(erf) = vrcp.f32 v41  }
0x252: {  	v23 =	vadd.f32 $1.000000000e+00, v42;
	v18 =	vadd.f32 $1.000000000e+00, v18;
	(erf) = vrcp.f32 v17;
	v17 =	vpop (erf)  }
0x253: {  	v56 =	vadd.f32 $1.000000000e+00, v55;
	v20 =	vadd.f32 $1.000000000e+00, v57;
	v40 =	vpop (erf);
	(erf) = vrcp.f32 v19  }
0x254: {  	v60 =	vadd.f32 $1.000000000e+00, v58;
	v5 =	vmul.f32 v61, v7;
	v41 =	vpop (erf);
	(erf) = vrcp.f32 v44  }
0x255: {  	v22 =	vadd.f32 $1.000000000e+00, v22;
	v17 =	vmul.f32 v17, v7;
	v44 =	vpop (erf);
	(erf) = vrcp.f32 v45  }
0x256: {  	v38 =	vmul.f32 v4, v7;
	v2 =	vadd.f32 v5, v59;
	(erf) = vrcp.f32 v21;
	v21 =	vpop (erf)  }
0x257: {  	v1 =	vadd.f32 v17, v1;
	v17 =	vadd.f32 $1.000000000e+00, v21;
	v21 =	vpop (erf);
	(erf) = vrcp.f32 v47  }
0x258: {  	v39 =	vmul.f32 v6, v7;
	v42 =	vadd.f32 v38, v30;
	v46 =	vpop (erf);
	(erf) = vrcp.f32 v48  }
0x259: {  	v19 =	vadd.f32 $1.000000000e+00, v40;
	v21 =	vmul.f32 v21, v8;
	v47 =	vpop (erf);
	(erf) = vrcp.f32 v26  }
0x25a: {  	v25 =	vadd.f32 v39, v63;
	v30 =	vmul.f32 v46, v8;
	(erf) = vrcp.f32 v23;
	v23 =	vpop (erf)  }
0x25b: {  	v57 =	vld [tilespmem:$0x1FF10];
	v2 =	vadd.f32 v21, v2;
	v21 =	vmul.f32 v47, v8;
	v48 =	vmul.f32 v23, v8;
	v49 =	vpop (erf)  }
0x25c: {  	v43 =	vadd.f32 $1.000000000e+00, v41;
	(erf) = vrcp.f32 v29;
	v26 =	vmul.f32 v49, v9;
	v50 =	vpop (erf)  }
0x25d: {  	v21 =	vadd.f32 v21, v25;
	(erf) = vrcp.f32 v51;
	v25 =	vmul.f32 v50, v9;
	v23 =	vpop (erf)  }
0x25e: {  	v45 =	vadd.f32 $1.000000000e+00, v44;
	(erf) = vrcp.f32 v18;
	v18 =	vmul.f32 v23, v9;
	v51 =	vpop (erf)  }
0x25f: {  	v58 =	vld [tilespmem:$0x1FF20];
	v0 =	vadd.f32 v30, v42;
	(erf) = vrcp.f32 v56;
	v52 =	vmul.f32 v51, v9  }
0x260: {  	v1 =	vadd.f32 v48, v1;
	v23 =	vpop (erf);
	(erf) = vrcp.f32 v20;
	v9 =	vmul.f32 $1.442695020e+00, v57  }
0x261: {  	v53 =	vmul.f32 v23, v10;
	v18 =	vadd.f32 v18, v21;
	v21 =	vpop (erf);
	(erf) = vrcp.f32 v60  }
0x262: {  	v2 =	vadd.f32 v26, v2;
	v21 =	vmul.f32 v21, v10;
	v54 =	vpop (erf);
	(erf) = vrcp.f32 v22  }
0x263: {  	v0 =	vadd.f32 v25, v0;
	v3 =	vmul.f32 v54, v10;
	(erf) = vrcp.f32 v19;
	v19 =	vpop (erf)  }
0x264: {  	v60 =	vld [tilespmem:$0x1FF30];
	v1 =	vadd.f32 v52, v1;
	v22 =	vmul.f32 $1.442695020e+00, v58;
	v55 =	vmul.f32 v19, v10;
	v20 =	vpop (erf)  }
0x265: {  	(erf) = vrcp.f32 v43;
	v20 =	vmul.f32 v20, v11;
	v3 =	vadd.f32 v18, v3;
	v18 =	vpop (erf)  }
0x266: {  	s23 =	sadd.s32 $0x5, s23;
	v2 =	vadd.f32 v2, v53;
	(erf) = vrcp.f32 v45;
	v56 =	vmul.f32 v18, v11;
	v19 =	vpop (erf)  }
0x267: {  	p0 =	slt.u32 s23, $0x26C;
	v0 =	vadd.f32 v0, v21;
	(erf) = vrcp.f32 v17;
	v17 =	vmul.f32 v19, v11;
	v19 =	vpop (erf)  }
.Ltmp0:
0x268: {  	v1 =	vadd.f32 v1, v55;
	v2 =	vadd.f32 v2, v20;
	v20 =	vmul.f32 v19, v11;
	v18 =	vpop (erf);
	(pc) =	sbr.rel @p0 .LBB2_2-.Ltmp0, $4  }
0x269: {  	v0 =	vadd.f32 v0, v56;
	v19 =	vmul.f32 $1.442695020e+00, v60;
	v10 =	vmul.f32 v18, v62;
	v59 =	vpop (erf)  }
0x26a: {  	v18 =	vadd.f32 v3, v17;
	v3 =	vmul.f32 v59, v62;
	v17 =	vadd.f32 v1, v20;
	v61 =	vpop (erf)  }
0x26b: {  	v11 =	vadd.f32 v2, v10;
	v20 =	vmul.f32 v61, v62;
	v63 =	vpop (erf);
	(erf) = vpow2.f32 v9  }
0x26c: {  	s24 =	sadd.s32 $0x50, s24;
	v9 =	vadd.f32 v0, v3;
	v10 =	vmul.f32 v63, v62;
	v21 =	vpop (erf);
	(erf) = vpow2.f32 v22  }
0x26d: {  	v6 =	vld [tilespmem:$0x1FF40];
	_ =	sdelay $0x4  }
0x26e: {  	v1 =	vpop (erf);
	v0 =	vmul.f32 v21, v6  }
0x26f: {  	v2 =	vadd.f32 v18, v20;
	(erf) = vpow2.f32 v19;
	v3 =	vpop (erf);
	v1 =	vmul.f32 v1, v6  }
0x270: {  	v4 =	vadd.f32 v17, v10;
	v5 =	vpop (erf);
	v3 =	vmul.f32 v3, v6;
	v0 =	vadd.f32 v11, v0  }
0x271: {  	(erf) = vpow2.f32 v12;
	v5 =	vmul.f32 v5, v6;
	v1 =	vadd.f32 v9, v1  }
0x272: {  	(erf) = vrcp.f32 v15;
	v2 =	vadd.f32 v2, v3;
	v0 =	vsub.f32 $0.0e+00, v0  }
0x273: {  	(erf) = vrcp.f32 v16;
	v42 =	vadd.f32 v4, v5;
	v1 =	vsub.f32 $0.0e+00, v1  }
0x274: {  	(erf) = vrcp.f32 v13;
	v2 =	vsub.f32 $0.0e+00, v2;
	v0 =	vmul.f32 $1.442695020e+00, v0  }
0x275: {  	(erf) = vrcp.f32 v14;
	v3 =	vsub.f32 $0.0e+00, v42;
	v1 =	vmul.f32 $1.442695020e+00, v1  }
0x276: {  	v2 =	vmul.f32 $1.442695020e+00, v2;
	(erf) = vpow2.f32 v0  }
0x277: {  	v43 =	vpop (erf);
	v3 =	vmul.f32 $1.442695020e+00, v3;
	(erf) = vpow2.f32 v1  }
0x278: {  	v44 =	vpop (erf);
	(erf) = vpow2.f32 v2  }
0x279: {  	v45 =	vpop (erf);
	(erf) = vpow2.f32 v3  }
0x27a: {  	v46 =	vpop (erf)  }
0x27b: {  	v47 =	vpop (erf)  }
0x27c: {  	v48 =	vpop (erf);
	v0 =	vadd.f32 $1.000000000e+00, v43  }
0x27d: {  	v49 =	vpop (erf);
	v1 =	vadd.f32 $1.000000000e+00, v44  }
0x27e: {  	v7 =	vpop (erf);
	v2 =	vadd.f32 $1.000000000e+00, v45;
	(erf) = vrcp.f32 v0  }
0x27f: {  	v50 =	vadd.f32 $1.000000000e+00, v46;
	(erf) = vrcp.f32 v1;
	v51 =	vpop (erf)  }
0x280: {  	(erf) = vrcp.f32 v2;
	v52 =	vpop (erf);
	v1 =	vadd.f32 $1.000000000e+00, v51  }
0x281: {  	(erf) = vrcp.f32 v50;
	v53 =	vpop (erf);
	v2 =	vadd.f32 $1.000000000e+00, v52  }
0x282: {  	v54 =	vpop (erf);
	v0 =	vadd.f32 $1.000000000e+00, v53;
	(erf) = vrcp.f32 v1  }
0x283: {  	v55 =	vadd.f32 $1.000000000e+00, v54;
	(erf) = vrcp.f32 v2  }
0x284: {  	[tilespmem:s19+$0xFFFFFFE0] =	vst v47;
	(erf) = vrcp.f32 v0  }
0x285: {  	[tilespmem:s19+$0xFFFFFFF0] =	vst v48;
	(erf) = vrcp.f32 v55  }
0x286: {  	[tilespmem:s19+$0x0] =	vst v49  }
0x287: {  	[tilespmem:s19+$0x10] =	vst v7;
	v56 =	vpop (erf)  }
0x288: {  	[tilespmem:s22+$0xFFFFFFE0] =	vst v56;
	v57 =	vpop (erf)  }
0x289: {  	[tilespmem:s22+$0xFFFFFFF0] =	vst v57;
	v58 =	vpop (erf)  }
0x28a: {  	[tilespmem:s22+$0x0] =	vst v58;
	v59 =	vpop (erf)  }
0x28b: {  	[tilespmem:s22+$0x10] =	vst v59;
	v60 =	vpop (erf)  }
0x28c: {  	[tilespmem:s21+$0xFFFFFFE0] =	vst v60;
	v61 =	vpop (erf)  }
0x28d: {  	s18 =	sadd.s32 $0x1, s18;
	[tilespmem:s21+$0xFFFFFFF0] =	vst v61;
	v62 =	vpop (erf)  }
0x28e: {  	p0 =	sne.s32 s18, s8;
	[tilespmem:s21+$0x0] =	vst v62;
	v63 =	vpop (erf)  }
.Ltmp1:
0x28f: {  	[tilespmem:s21+$0x10] =	vst v63;
	(pc) =	sbr.rel @p0 .LBB2_1-.Ltmp1, $4  }
0x290: {  	[hbm4b:s7+s3] =	stream.linear.scatter [tilespmem:s16], [sflag:$0x5], $0x2710, $0x38;
	[tilespmem:$0x1AEB0] =	vst v63  }
0x291: {  	_ =	swait.ge [sflag:s17], $0x2710  }
0x292: {  	[sflag:s17] =	ssyncset.done $0x0  }
0x293: {  	[sflag:s17] =	ssyncadd.s32 $0xFFFFD8F0  }
0x294: {  	_ =	sfence.sel $0x180000  }
0x295: {  	[bflag:$0x0] =	sbarrier.arrive $0xFFFF  }
0x296: {  	p0 =	sne.s32 s0, $0x0;
	_ =	strace $0x90000047  }
0x297: {  	s0 =	sadd.s32 @!p0 $0x100000, s1;
	[bflag:$0x2] =	sbarrier.arrive $0xFFFF  }
0x298: {  	[sflag:s0] =	ssyncadd.tile.s32 @!p0 $0x1;
	_ =	shalt  }
.Lfunc_end2:
_tile_overlayer_lowered:
.L_overlay_start_2:
0x299: {  	(tag) =	ssettag $0x2  }
0x29a: {  	s0 =	rddreg [dreg:$0x0];
	s2 =	stileid.u32  }
0x29b: {  	s1 =	rddreg [dreg:$0x1];
	p0 =	sne.s32 s2, $0x0  }
0x29c: {  	s3 =	rddreg [dreg:$0x2];
	[bflag:$0x3] =	sbarrier.arrive $0xFFFF;
	s2 =	simm.s32 @!p0 $0x1C05  }
0x29d: {  	[timem:s3], [sflag:s2] =	dma.local @!p0 [hbm:s0], s1  }
0x29e: {  	s0 =	simm.s32 @!p0 $0x5  }
0x29f: {  	_ =	swait.ge @!p0 [sflag:s0], s1  }
0x2a0: {  	s1 =	ssub.s32 @!p0 $0x0, s1;
	[sflag:s0] =	ssyncset.done @!p0 $0x0  }
0x2a1: {  	[sflag:s0] =	ssyncadd.s32 @!p0 s1  }
0x2a2: {  	[bflag:$0x3] =	sbarrier.arrive $0xFFFF  }
0x2a3: {  	_ =	shalt  }

</sc_bundles>
